<compile_context>
chip_gen: v7x
topology: tpu7x:2x2x1
jax: 0.10.2.dev20260603
libtpu: 0.0.44.dev20260713+nightly
codegen_flags: <defaults>
</compile_context>

<pallas_src>
import functools

import jax
import jax.numpy as jnp
from jax import lax
from jax.experimental import pallas as pl
from jax.experimental.pallas import tpu as pltpu
from jax.experimental.pallas import tpu_sc as plsc

B = 4096
C = 1000
D = 512
EPS = 1e-6

BLK = 2048


def _argmax_body(predsT_ref, labels_ref, out_ref):
    p = predsT_ref[...]
    lbl = labels_ref[...].reshape(1, BLK)
    cls = lax.broadcasted_iota(jnp.int32, (C, BLK), 0)
    masked = jnp.where(cls == lbl, -jnp.inf, p)
    out_ref[...] = jnp.argmax(masked, axis=0).astype(jnp.int32)


def _masked_argmax(preds, labels):
    predsT = jnp.swapaxes(preds, 0, 1)
    predsT = pltpu.with_memory_space_constraint(predsT, pltpu.HBM)
    return pl.pallas_call(
        _argmax_body,
        grid=(B // BLK,),
        in_specs=[
            pl.BlockSpec((C, BLK), lambda i: (0, i)),
            pl.BlockSpec((BLK,), lambda i: (i,)),
        ],
        out_specs=pl.BlockSpec((BLK,), lambda i: (i,)),
        out_shape=jax.ShapeDtypeStruct((B,), jnp.int32),
    )(predsT, labels)


NC = 2
NS = 16
NW = NC * NS
RPW = B // NW
CH = 32


def _sc_distances(x, labels, adv, centers):
    mesh = plsc.VectorSubcoreMesh(
        core_axis_name="c", subcore_axis_name="s",
        num_cores=NC, num_subcores=NS)

    NCH = RPW // CH
    NBUF = 2

    @functools.partial(
        pl.kernel,
        mesh=mesh,
        compiler_params=pltpu.CompilerParams(needs_layout_passes=False),
        out_type=(
            jax.ShapeDtypeStruct((B,), jnp.float32),
            jax.ShapeDtypeStruct((B,), jnp.float32),
        ),
        scratch_types=[
            pltpu.VMEM((RPW,), jnp.int32),
            pltpu.VMEM((RPW,), jnp.int32),
            pltpu.VMEM((NBUF, CH, D), jnp.float32),
            pltpu.VMEM((NBUF, CH, D), jnp.float32),
            pltpu.VMEM((NBUF, CH, D), jnp.float32),
            pltpu.VMEM((RPW,), jnp.float32),
            pltpu.VMEM((RPW,), jnp.float32),
        ] + [pltpu.SemaphoreType.DMA] * (3 * NBUF),
    )
    def sc_kernel(x_hbm, lab_hbm, adv_hbm, cen_hbm, dap_hbm, dan_hbm,
                  lab_v, adv_v, x_v, pos_v, neg_v, dap_v, dan_v, *sems):
        semx = sems[:NBUF]
        semp = sems[NBUF:2 * NBUF]
        semn = sems[2 * NBUF:]
        wid = lax.axis_index("s") * NC + lax.axis_index("c")
        base = wid * RPW
        lane0 = lax.iota(jnp.int32, 16) == 0
        main_cps = {}

        pltpu.sync_copy(lab_hbm.at[pl.ds(base, RPW)], lab_v)
        pltpu.sync_copy(adv_hbm.at[pl.ds(base, RPW)], adv_v)

        def issue_main(ci):
            s = ci % NBUF
            row0 = base + ci * CH
            cx = pltpu.async_copy(x_hbm.at[pl.ds(row0, CH), :],
                                  x_v.at[s], semx[s])
            cp = pltpu.async_copy(cen_hbm.at[lab_v.at[pl.ds(ci * CH, CH)]],
                                  pos_v.at[s], semp[s])
            cn = pltpu.async_copy(cen_hbm.at[adv_v.at[pl.ds(ci * CH, CH)]],
                                  neg_v.at[s], semn[s])
            main_cps[ci] = (cx, cp, cn)

        def compute(ci):
            s = ci % NBUF

            @functools.partial(plsc.parallel_loop, 0, CH, unroll=2)
            def row_body(r):
                def j_body(j4, accs):
                    accp, accn = accs
                    for jj in range(8):
                        sl = pl.ds(j4 * 128 + jj * 16, 16)
                        xv = x_v[s, r, sl]
                        pv = pos_v[s, r, sl]
                        nv = neg_v[s, r, sl]
                        dp = xv - pv + EPS
                        dn = xv - nv + EPS
                        accp = accp + dp * dp
                        accn = accn + dn * dn
                    return (accp, accn)

                accp, accn = lax.fori_loop(
                    0, D // 128, j_body,
                    (jnp.zeros((16,), jnp.float32),
                     jnp.zeros((16,), jnp.float32)))
                dst = jnp.full((16,), ci * CH + r, jnp.int32)
                plsc.store_scatter(dap_v, [dst],
                                   jnp.full((16,), jnp.sum(accp), jnp.float32),
                                   mask=lane0)
                plsc.store_scatter(dan_v, [dst],
                                   jnp.full((16,), jnp.sum(accn), jnp.float32),
                                   mask=lane0)

        for ci in range(min(NBUF, NCH)):
            issue_main(ci)
        for ci in range(NCH):
            cx, cp, cn = main_cps.pop(ci)
            cx.wait()
            cp.wait()
            cn.wait()
            compute(ci)
            if ci + NBUF < NCH:
                issue_main(ci + NBUF)

        pltpu.sync_copy(dap_v, dap_hbm.at[pl.ds(base, RPW)])
        pltpu.sync_copy(dan_v, dan_hbm.at[pl.ds(base, RPW)])

    return sc_kernel(x, labels, adv, centers)


def _finish_body(dap_ref, dan_ref, out_ref):
    d_ap = jnp.sqrt(dap_ref[...])
    d_an = jnp.sqrt(dan_ref[...])
    terms = jnp.maximum(d_ap - d_an + 1.0, 0.0)
    out_ref[...] = jnp.broadcast_to(jnp.sum(terms) * (1.0 / B), (1, 1))


def _finish(dap_sq, dan_sq):
    return pl.pallas_call(
        _finish_body,
        out_shape=jax.ShapeDtypeStruct((1, 1), jnp.float32),
    )(dap_sq.reshape(32, B // 32), dan_sq.reshape(32, B // 32))


def kernel(x, preds, labels, centers):
    labels = labels.astype(jnp.int32)
    adv = _masked_argmax(preds, labels)
    dap_sq, dan_sq = _sc_distances(x, labels, adv, centers)
    loss = _finish(dap_sq, dan_sq)
    return loss.reshape(())

# --- scband reference (transcript-rebuilt; emitter-appended) ---
"""Pipeline reference for scband-center-triplet-loss-26010321945188 (READ-ONLY COPY).

The authoritative reference and input builder live on the scoring server;
editing this copy changes nothing except your own understanding.
"""

import jax, jax.numpy as jnp
import numpy as np


def setup_inputs(seed: int = 0) -> dict:
    key = jax.random.key(seed)
    k1, k2, k3, k4 = jax.random.split(key, 4)
    x = jax.random.normal(k1, (4096, 512), dtype=jnp.float32)
    preds = jax.random.normal(k2, (4096, 1000), dtype=jnp.float32)
    labels = jax.random.randint(k3, (4096,), 0, 1000)
    centers = jax.random.normal(k4, (1000, 512), dtype=jnp.float32)
    return {"x": x, "preds": preds, "labels": labels, "centers": centers}


def reference(x, preds, labels, centers):
    # preds = preds.softmax(-1)
    p = jax.nn.softmax(preds, axis=-1)
    batch_size = x.shape[0]
    idxs = jnp.arange(batch_size)
    # preds[idxs, labels] = -1  (scatter-overwrite)
    p = p.at[idxs, labels].set(-1.0)
    # adv_labels = preds.max(-1)[1]
    adv_labels = jnp.argmax(p, axis=-1)
    anchor = x
    positive = jnp.take(centers, labels, axis=0)
    negative = jnp.take(centers, adv_labels, axis=0)
    # nn.TripletMarginLoss(margin=1.0, p=2) with default eps=1e-6, reduction='mean'
    eps = 1e-6
    d_ap = jnp.sqrt(jnp.sum((anchor - positive + eps) ** 2, axis=-1))
    d_an = jnp.sqrt(jnp.sum((anchor - negative + eps) ** 2, axis=-1))
    loss = jnp.mean(jnp.maximum(d_ap - d_an + 1.0, 0.0))
    return loss

if __name__ == "__main__":
    import jax
    _d = setup_inputs()
    print(jax.jit(kernel)(*tuple(_d.values())))

</pallas_src>

<mosaic_0001>
#map = affine_map<(d0, d1) -> (0, 0)>
#map1 = affine_map<(d0, d1) -> (0)>
module attributes {stable_mosaic.version = 14 : i64} {
  func.func @sc_kernel(%arg0: i32, %arg1: i32, %arg2: memref<4096x512xf32, #tpu.memory_space<hbm>>, %arg3: memref<4096xi32, #tpu.memory_space<hbm>>, %arg4: memref<4096xi32, #tpu.memory_space<hbm>>, %arg5: memref<1000x512xf32, #tpu.memory_space<hbm>>, %arg6: memref<4096xf32, #tpu.memory_space<hbm>>, %arg7: memref<4096xf32, #tpu.memory_space<hbm>>, %arg8: memref<128xi32, #tpu.memory_space<vmem>>, %arg9: memref<128xi32, #tpu.memory_space<vmem>>, %arg10: memref<2x32x512xf32, #tpu.memory_space<vmem>>, %arg11: memref<2x32x512xf32, #tpu.memory_space<vmem>>, %arg12: memref<2x32x512xf32, #tpu.memory_space<vmem>>, %arg13: memref<128xf32, #tpu.memory_space<vmem>>, %arg14: memref<128xf32, #tpu.memory_space<vmem>>, %arg15: memref<!tpu.dma_semaphore, #tpu.memory_space<semaphore_mem>>, %arg16: memref<!tpu.dma_semaphore, #tpu.memory_space<semaphore_mem>>, %arg17: memref<!tpu.dma_semaphore, #tpu.memory_space<semaphore_mem>>, %arg18: memref<!tpu.dma_semaphore, #tpu.memory_space<semaphore_mem>>, %arg19: memref<!tpu.dma_semaphore, #tpu.memory_space<semaphore_mem>>, %arg20: memref<!tpu.dma_semaphore, #tpu.memory_space<semaphore_mem>>) attributes {dimension_semantics = [#tpu.dimension_semantics<core_parallel>, #tpu.dimension_semantics<subcore_parallel>], iteration_bounds = array<i64: 2, 16>, scalar_prefetch = 0 : i64, scratch_operands = 13 : i64, tpu.core_type = #tpu.core_type<sc_vector_subcore>, window_params = [{transform_indices = #map}, {transform_indices = #map1}, {transform_indices = #map1}, {transform_indices = #map}, {transform_indices = #map1}, {transform_indices = #map1}]} {
    %mul3A = arith.constant 2 : i32
    %mul3A_0 = arith.muli %arg1, %mul3A : i32
    %add3A = arith.addi %mul3A_0, %arg0 : i32
    %mul3A_1 = arith.constant 128 : i32
    %mul3A_2 = arith.muli %add3A, %mul3A_1 : i32
    %iota3A = tpu.iota {dimensions = array<i32: 0>} : vector<16xi32>
    %eq3A = arith.constant 0 : i32
    %eq3A_3 = vector.broadcast %eq3A : i32 to vector<16xi32>
    %eq3A_4 = arith.cmpi eq, %iota3A, %eq3A_3 : vector<16xi32>
    "tpu.region"() ({
      %run_scoped3A = tpu.sem_alloc : memref<!tpu.dma_semaphore, #tpu.memory_space<semaphore_mem>>
      %dma_start3A_275 = tpu.memref_slice %arg3[%mul3A_2] : memref<4096xi32, #tpu.memory_space<hbm>> -> memref<128xi32, #tpu.memory_space<hbm>>
      %dma_start3A_276 = tpu.memref_slice %arg3[%mul3A_2] : memref<4096xi32, #tpu.memory_space<hbm>> -> memref<128xi32, #tpu.memory_space<hbm>>
      tpu.enqueue_dma source(%dma_start3A_276 : memref<128xi32, #tpu.memory_space<hbm>>) target(%arg8 : memref<128xi32, #tpu.memory_space<vmem>>) target_semaphore(%run_scoped3A : memref<!tpu.dma_semaphore, #tpu.memory_space<semaphore_mem>>)
      %dma_wait3A_277 = tpu.memref_slice %arg3[%mul3A_2] : memref<4096xi32, #tpu.memory_space<hbm>> -> memref<128xi32, #tpu.memory_space<hbm>>
      %dma_wait3A_278 = tpu.memref_slice %arg3[%mul3A_2] : memref<4096xi32, #tpu.memory_space<hbm>> -> memref<128xi32, #tpu.memory_space<hbm>>
      tpu.wait_dma2 semaphore(%run_scoped3A : memref<!tpu.dma_semaphore, #tpu.memory_space<semaphore_mem>>) src(%dma_wait3A_278 : memref<128xi32, #tpu.memory_space<hbm>>) dst(%arg8 : memref<128xi32, #tpu.memory_space<vmem>>)
      tpu.yield
    }) : () -> ()
    "tpu.region"() ({
      %run_scoped3A = tpu.sem_alloc : memref<!tpu.dma_semaphore, #tpu.memory_space<semaphore_mem>>
      %dma_start3A_275 = tpu.memref_slice %arg4[%mul3A_2] : memref<4096xi32, #tpu.memory_space<hbm>> -> memref<128xi32, #tpu.memory_space<hbm>>
      %dma_start3A_276 = tpu.memref_slice %arg4[%mul3A_2] : memref<4096xi32, #tpu.memory_space<hbm>> -> memref<128xi32, #tpu.memory_space<hbm>>
      tpu.enqueue_dma source(%dma_start3A_276 : memref<128xi32, #tpu.memory_space<hbm>>) target(%arg9 : memref<128xi32, #tpu.memory_space<vmem>>) target_semaphore(%run_scoped3A : memref<!tpu.dma_semaphore, #tpu.memory_space<semaphore_mem>>)
      %dma_wait3A_277 = tpu.memref_slice %arg4[%mul3A_2] : memref<4096xi32, #tpu.memory_space<hbm>> -> memref<128xi32, #tpu.memory_space<hbm>>
      %dma_wait3A_278 = tpu.memref_slice %arg4[%mul3A_2] : memref<4096xi32, #tpu.memory_space<hbm>> -> memref<128xi32, #tpu.memory_space<hbm>>
      tpu.wait_dma2 semaphore(%run_scoped3A : memref<!tpu.dma_semaphore, #tpu.memory_space<semaphore_mem>>) src(%dma_wait3A_278 : memref<128xi32, #tpu.memory_space<hbm>>) dst(%arg9 : memref<128xi32, #tpu.memory_space<vmem>>)
      tpu.yield
    }) : () -> ()
    %add3A_5 = arith.constant 0 : i32
    %add3A_6 = arith.addi %mul3A_2, %add3A_5 : i32
    %dma_start3A = arith.constant 0 : i32
    %dma_start3A_7 = arith.constant 0 : i32
    %dma_start3A_8 = arith.constant 0 : i32
    %dma_start3A_9 = tpu.memref_slice %arg10[%dma_start3A, %dma_start3A_7, %dma_start3A_8] : memref<2x32x512xf32, #tpu.memory_space<vmem>> -> memref<1x32x512xf32, #tpu.memory_space<vmem>>
    %dma_start3A_10 = tpu.memref_squeeze %dma_start3A_9 : memref<1x32x512xf32, #tpu.memory_space<vmem>> -> memref<32x512xf32, #tpu.memory_space<vmem>>
    %dma_start3A_11 = arith.constant 0 : i32
    %dma_start3A_12 = tpu.memref_slice %arg2[%add3A_6, %dma_start3A_11] : memref<4096x512xf32, #tpu.memory_space<hbm>> -> memref<32x512xf32, #tpu.memory_space<hbm>>
    %dma_start3A_13 = arith.constant 0 : i32
    %dma_start3A_14 = arith.constant 0 : i32
    %dma_start3A_15 = tpu.memref_slice %arg10[%dma_start3A, %dma_start3A_13, %dma_start3A_14] : memref<2x32x512xf32, #tpu.memory_space<vmem>> -> memref<1x32x512xf32, #tpu.memory_space<vmem>>
    %dma_start3A_16 = tpu.memref_squeeze %dma_start3A_15 : memref<1x32x512xf32, #tpu.memory_space<vmem>> -> memref<32x512xf32, #tpu.memory_space<vmem>>
    %dma_start3A_17 = arith.constant 0 : i32
    %dma_start3A_18 = tpu.memref_slice %arg2[%add3A_6, %dma_start3A_17] : memref<4096x512xf32, #tpu.memory_space<hbm>> -> memref<32x512xf32, #tpu.memory_space<hbm>>
    tpu.enqueue_dma source(%dma_start3A_18 : memref<32x512xf32, #tpu.memory_space<hbm>>) target(%dma_start3A_16 : memref<32x512xf32, #tpu.memory_space<vmem>>) target_semaphore(%arg15 : memref<!tpu.dma_semaphore, #tpu.memory_space<semaphore_mem>>)
    %dma_start3A_19 = arith.constant 0 : i32
    %dma_start3A_20 = arith.constant 0 : i32
    %dma_start3A_21 = arith.constant 0 : i32
    %dma_start3A_22 = tpu.memref_slice %arg11[%dma_start3A_19, %dma_start3A_20, %dma_start3A_21] : memref<2x32x512xf32, #tpu.memory_space<vmem>> -> memref<1x32x512xf32, #tpu.memory_space<vmem>>
    %dma_start3A_23 = tpu.memref_squeeze %dma_start3A_22 : memref<1x32x512xf32, #tpu.memory_space<vmem>> -> memref<32x512xf32, #tpu.memory_space<vmem>>
    %dma_start3A_24 = arith.constant 0 : i32
    %dma_start3A_25 = tpu.memref_slice %arg8[%dma_start3A_24] : memref<128xi32, #tpu.memory_space<vmem>> -> memref<32xi32, #tpu.memory_space<vmem>>
    %dma_start3A_26 = arith.constant 0 : i32
    %dma_start3A_27 = arith.constant 0 : i32
    %dma_start3A_28 = tpu.memref_slice %arg5[%dma_start3A_26, %dma_start3A_27] : memref<1000x512xf32, #tpu.memory_space<hbm>> -> memref<1000x512xf32, #tpu.memory_space<hbm>>
    tpu.enqueue_indirect_dma source(%dma_start3A_28 : memref<1000x512xf32, #tpu.memory_space<hbm>>) target(%dma_start3A_23 : memref<32x512xf32, #tpu.memory_space<vmem>>) offsets(%dma_start3A_25 : memref<32xi32, #tpu.memory_space<vmem>>) semaphore(%arg17 : memref<!tpu.dma_semaphore, #tpu.memory_space<semaphore_mem>>)
    %dma_start3A_29 = arith.constant 0 : i32
    %dma_start3A_30 = arith.constant 0 : i32
    %dma_start3A_31 = arith.constant 0 : i32
    %dma_start3A_32 = tpu.memref_slice %arg12[%dma_start3A_29, %dma_start3A_30, %dma_start3A_31] : memref<2x32x512xf32, #tpu.memory_space<vmem>> -> memref<1x32x512xf32, #tpu.memory_space<vmem>>
    %dma_start3A_33 = tpu.memref_squeeze %dma_start3A_32 : memref<1x32x512xf32, #tpu.memory_space<vmem>> -> memref<32x512xf32, #tpu.memory_space<vmem>>
    %dma_start3A_34 = arith.constant 0 : i32
    %dma_start3A_35 = tpu.memref_slice %arg9[%dma_start3A_34] : memref<128xi32, #tpu.memory_space<vmem>> -> memref<32xi32, #tpu.memory_space<vmem>>
    %dma_start3A_36 = arith.constant 0 : i32
    %dma_start3A_37 = arith.constant 0 : i32
    %dma_start3A_38 = tpu.memref_slice %arg5[%dma_start3A_36, %dma_start3A_37] : memref<1000x512xf32, #tpu.memory_space<hbm>> -> memref<1000x512xf32, #tpu.memory_space<hbm>>
    tpu.enqueue_indirect_dma source(%dma_start3A_38 : memref<1000x512xf32, #tpu.memory_space<hbm>>) target(%dma_start3A_33 : memref<32x512xf32, #tpu.memory_space<vmem>>) offsets(%dma_start3A_35 : memref<32xi32, #tpu.memory_space<vmem>>) semaphore(%arg19 : memref<!tpu.dma_semaphore, #tpu.memory_space<semaphore_mem>>)
    %add3A_39 = arith.constant 32 : i32
    %add3A_40 = arith.addi %mul3A_2, %add3A_39 : i32
    %dma_start3A_41 = arith.constant 1 : i32
    %dma_start3A_42 = arith.constant 0 : i32
    %dma_start3A_43 = arith.constant 0 : i32
    %dma_start3A_44 = tpu.memref_slice %arg10[%dma_start3A_41, %dma_start3A_42, %dma_start3A_43] : memref<2x32x512xf32, #tpu.memory_space<vmem>> -> memref<1x32x512xf32, #tpu.memory_space<vmem>>
    %dma_start3A_45 = tpu.memref_squeeze %dma_start3A_44 : memref<1x32x512xf32, #tpu.memory_space<vmem>> -> memref<32x512xf32, #tpu.memory_space<vmem>>
    %dma_start3A_46 = arith.constant 0 : i32
    %dma_start3A_47 = tpu.memref_slice %arg2[%add3A_40, %dma_start3A_46] : memref<4096x512xf32, #tpu.memory_space<hbm>> -> memref<32x512xf32, #tpu.memory_space<hbm>>
    %dma_start3A_48 = arith.constant 0 : i32
    %dma_start3A_49 = arith.constant 0 : i32
    %dma_start3A_50 = tpu.memref_slice %arg10[%dma_start3A_41, %dma_start3A_48, %dma_start3A_49] : memref<2x32x512xf32, #tpu.memory_space<vmem>> -> memref<1x32x512xf32, #tpu.memory_space<vmem>>
    %dma_start3A_51 = tpu.memref_squeeze %dma_start3A_50 : memref<1x32x512xf32, #tpu.memory_space<vmem>> -> memref<32x512xf32, #tpu.memory_space<vmem>>
    %dma_start3A_52 = arith.constant 0 : i32
    %dma_start3A_53 = tpu.memref_slice %arg2[%add3A_40, %dma_start3A_52] : memref<4096x512xf32, #tpu.memory_space<hbm>> -> memref<32x512xf32, #tpu.memory_space<hbm>>
    tpu.enqueue_dma source(%dma_start3A_53 : memref<32x512xf32, #tpu.memory_space<hbm>>) target(%dma_start3A_51 : memref<32x512xf32, #tpu.memory_space<vmem>>) target_semaphore(%arg16 : memref<!tpu.dma_semaphore, #tpu.memory_space<semaphore_mem>>)
    %dma_start3A_54 = arith.constant 1 : i32
    %dma_start3A_55 = arith.constant 0 : i32
    %dma_start3A_56 = arith.constant 0 : i32
    %dma_start3A_57 = tpu.memref_slice %arg11[%dma_start3A_54, %dma_start3A_55, %dma_start3A_56] : memref<2x32x512xf32, #tpu.memory_space<vmem>> -> memref<1x32x512xf32, #tpu.memory_space<vmem>>
    %dma_start3A_58 = tpu.memref_squeeze %dma_start3A_57 : memref<1x32x512xf32, #tpu.memory_space<vmem>> -> memref<32x512xf32, #tpu.memory_space<vmem>>
    %dma_start3A_59 = arith.constant 32 : i32
    %dma_start3A_60 = tpu.memref_slice %arg8[%dma_start3A_59] : memref<128xi32, #tpu.memory_space<vmem>> -> memref<32xi32, #tpu.memory_space<vmem>>
    %dma_start3A_61 = arith.constant 0 : i32
    %dma_start3A_62 = arith.constant 0 : i32
    %dma_start3A_63 = tpu.memref_slice %arg5[%dma_start3A_61, %dma_start3A_62] : memref<1000x512xf32, #tpu.memory_space<hbm>> -> memref<1000x512xf32, #tpu.memory_space<hbm>>
    tpu.enqueue_indirect_dma source(%dma_start3A_63 : memref<1000x512xf32, #tpu.memory_space<hbm>>) target(%dma_start3A_58 : memref<32x512xf32, #tpu.memory_space<vmem>>) offsets(%dma_start3A_60 : memref<32xi32, #tpu.memory_space<vmem>>) semaphore(%arg18 : memref<!tpu.dma_semaphore, #tpu.memory_space<semaphore_mem>>)
    %dma_start3A_64 = arith.constant 1 : i32
    %dma_start3A_65 = arith.constant 0 : i32
    %dma_start3A_66 = arith.constant 0 : i32
    %dma_start3A_67 = tpu.memref_slice %arg12[%dma_start3A_64, %dma_start3A_65, %dma_start3A_66] : memref<2x32x512xf32, #tpu.memory_space<vmem>> -> memref<1x32x512xf32, #tpu.memory_space<vmem>>
    %dma_start3A_68 = tpu.memref_squeeze %dma_start3A_67 : memref<1x32x512xf32, #tpu.memory_space<vmem>> -> memref<32x512xf32, #tpu.memory_space<vmem>>
    %dma_start3A_69 = arith.constant 32 : i32
    %dma_start3A_70 = tpu.memref_slice %arg9[%dma_start3A_69] : memref<128xi32, #tpu.memory_space<vmem>> -> memref<32xi32, #tpu.memory_space<vmem>>
    %dma_start3A_71 = arith.constant 0 : i32
    %dma_start3A_72 = arith.constant 0 : i32
    %dma_start3A_73 = tpu.memref_slice %arg5[%dma_start3A_71, %dma_start3A_72] : memref<1000x512xf32, #tpu.memory_space<hbm>> -> memref<1000x512xf32, #tpu.memory_space<hbm>>
    tpu.enqueue_indirect_dma source(%dma_start3A_73 : memref<1000x512xf32, #tpu.memory_space<hbm>>) target(%dma_start3A_68 : memref<32x512xf32, #tpu.memory_space<vmem>>) offsets(%dma_start3A_70 : memref<32xi32, #tpu.memory_space<vmem>>) semaphore(%arg20 : memref<!tpu.dma_semaphore, #tpu.memory_space<semaphore_mem>>)
    %dma_wait3A = arith.constant 0 : i32
    %dma_wait3A_74 = arith.constant 0 : i32
    %dma_wait3A_75 = arith.constant 0 : i32
    %dma_wait3A_76 = tpu.memref_slice %arg10[%dma_wait3A, %dma_wait3A_74, %dma_wait3A_75] : memref<2x32x512xf32, #tpu.memory_space<vmem>> -> memref<1x32x512xf32, #tpu.memory_space<vmem>>
    %dma_wait3A_77 = tpu.memref_squeeze %dma_wait3A_76 : memref<1x32x512xf32, #tpu.memory_space<vmem>> -> memref<32x512xf32, #tpu.memory_space<vmem>>
    %dma_wait3A_78 = arith.constant 0 : i32
    %dma_wait3A_79 = tpu.memref_slice %arg2[%add3A_6, %dma_wait3A_78] : memref<4096x512xf32, #tpu.memory_space<hbm>> -> memref<32x512xf32, #tpu.memory_space<hbm>>
    %dma_wait3A_80 = arith.constant 0 : i32
    %dma_wait3A_81 = arith.constant 0 : i32
    %dma_wait3A_82 = tpu.memref_slice %arg10[%dma_wait3A, %dma_wait3A_80, %dma_wait3A_81] : memref<2x32x512xf32, #tpu.memory_space<vmem>> -> memref<1x32x512xf32, #tpu.memory_space<vmem>>
    %dma_wait3A_83 = tpu.memref_squeeze %dma_wait3A_82 : memref<1x32x512xf32, #tpu.memory_space<vmem>> -> memref<32x512xf32, #tpu.memory_space<vmem>>
    %dma_wait3A_84 = arith.constant 0 : i32
    %dma_wait3A_85 = tpu.memref_slice %arg2[%add3A_6, %dma_wait3A_84] : memref<4096x512xf32, #tpu.memory_space<hbm>> -> memref<32x512xf32, #tpu.memory_space<hbm>>
    tpu.wait_dma2 semaphore(%arg15 : memref<!tpu.dma_semaphore, #tpu.memory_space<semaphore_mem>>) src(%dma_wait3A_85 : memref<32x512xf32, #tpu.memory_space<hbm>>) dst(%dma_wait3A_83 : memref<32x512xf32, #tpu.memory_space<vmem>>)
    %dma_wait3A_86 = arith.constant 0 : i32
    %dma_wait3A_87 = arith.constant 0 : i32
    %dma_wait3A_88 = arith.constant 0 : i32
    %dma_wait3A_89 = tpu.memref_slice %arg11[%dma_wait3A_86, %dma_wait3A_87, %dma_wait3A_88] : memref<2x32x512xf32, #tpu.memory_space<vmem>> -> memref<1x32x512xf32, #tpu.memory_space<vmem>>
    %dma_wait3A_90 = tpu.memref_squeeze %dma_wait3A_89 : memref<1x32x512xf32, #tpu.memory_space<vmem>> -> memref<32x512xf32, #tpu.memory_space<vmem>>
    %dma_wait3A_91 = arith.constant 0 : i32
    %dma_wait3A_92 = tpu.memref_slice %arg8[%dma_wait3A_91] : memref<128xi32, #tpu.memory_space<vmem>> -> memref<32xi32, #tpu.memory_space<vmem>>
    %dma_wait3A_93 = arith.constant 0 : i32
    %dma_wait3A_94 = arith.constant 0 : i32
    %dma_wait3A_95 = tpu.memref_slice %arg5[%dma_wait3A_93, %dma_wait3A_94] : memref<1000x512xf32, #tpu.memory_space<hbm>> -> memref<1000x512xf32, #tpu.memory_space<hbm>>
    tpu.wait_indirect_dma semaphore(%arg17 : memref<!tpu.dma_semaphore, #tpu.memory_space<semaphore_mem>>) src(%dma_wait3A_95 : memref<1000x512xf32, #tpu.memory_space<hbm>>) dst(%dma_wait3A_90 : memref<32x512xf32, #tpu.memory_space<vmem>>)
    %dma_wait3A_96 = arith.constant 0 : i32
    %dma_wait3A_97 = arith.constant 0 : i32
    %dma_wait3A_98 = arith.constant 0 : i32
    %dma_wait3A_99 = tpu.memref_slice %arg12[%dma_wait3A_96, %dma_wait3A_97, %dma_wait3A_98] : memref<2x32x512xf32, #tpu.memory_space<vmem>> -> memref<1x32x512xf32, #tpu.memory_space<vmem>>
    %dma_wait3A_100 = tpu.memref_squeeze %dma_wait3A_99 : memref<1x32x512xf32, #tpu.memory_space<vmem>> -> memref<32x512xf32, #tpu.memory_space<vmem>>
    %dma_wait3A_101 = arith.constant 0 : i32
    %dma_wait3A_102 = tpu.memref_slice %arg9[%dma_wait3A_101] : memref<128xi32, #tpu.memory_space<vmem>> -> memref<32xi32, #tpu.memory_space<vmem>>
    %dma_wait3A_103 = arith.constant 0 : i32
    %dma_wait3A_104 = arith.constant 0 : i32
    %dma_wait3A_105 = tpu.memref_slice %arg5[%dma_wait3A_103, %dma_wait3A_104] : memref<1000x512xf32, #tpu.memory_space<hbm>> -> memref<1000x512xf32, #tpu.memory_space<hbm>>
    tpu.wait_indirect_dma semaphore(%arg19 : memref<!tpu.dma_semaphore, #tpu.memory_space<semaphore_mem>>) src(%dma_wait3A_105 : memref<1000x512xf32, #tpu.memory_space<hbm>>) dst(%dma_wait3A_100 : memref<32x512xf32, #tpu.memory_space<vmem>>)
    %add3A_106 = arith.constant 64 : i32
    %add3A_107 = arith.addi %mul3A_2, %add3A_106 : i32
    %dma_start3A_108 = arith.constant 0 : i32
    %dma_start3A_109 = arith.constant 0 : i32
    %dma_start3A_110 = arith.constant 0 : i32
    %dma_start3A_111 = tpu.memref_slice %arg10[%dma_start3A_108, %dma_start3A_109, %dma_start3A_110] : memref<2x32x512xf32, #tpu.memory_space<vmem>> -> memref<1x32x512xf32, #tpu.memory_space<vmem>>
    %dma_start3A_112 = tpu.memref_squeeze %dma_start3A_111 : memref<1x32x512xf32, #tpu.memory_space<vmem>> -> memref<32x512xf32, #tpu.memory_space<vmem>>
    %dma_start3A_113 = arith.constant 0 : i32
    %dma_start3A_114 = tpu.memref_slice %arg2[%add3A_107, %dma_start3A_113] : memref<4096x512xf32, #tpu.memory_space<hbm>> -> memref<32x512xf32, #tpu.memory_space<hbm>>
    %dma_start3A_115 = arith.constant 0 : i32
    %dma_start3A_116 = arith.constant 0 : i32
    %dma_start3A_117 = tpu.memref_slice %arg10[%dma_start3A_108, %dma_start3A_115, %dma_start3A_116] : memref<2x32x512xf32, #tpu.memory_space<vmem>> -> memref<1x32x512xf32, #tpu.memory_space<vmem>>
    %dma_start3A_118 = tpu.memref_squeeze %dma_start3A_117 : memref<1x32x512xf32, #tpu.memory_space<vmem>> -> memref<32x512xf32, #tpu.memory_space<vmem>>
    %dma_start3A_119 = arith.constant 0 : i32
    %dma_start3A_120 = tpu.memref_slice %arg2[%add3A_107, %dma_start3A_119] : memref<4096x512xf32, #tpu.memory_space<hbm>> -> memref<32x512xf32, #tpu.memory_space<hbm>>
    tpu.enqueue_dma source(%dma_start3A_120 : memref<32x512xf32, #tpu.memory_space<hbm>>) target(%dma_start3A_118 : memref<32x512xf32, #tpu.memory_space<vmem>>) target_semaphore(%arg15 : memref<!tpu.dma_semaphore, #tpu.memory_space<semaphore_mem>>)
    %dma_start3A_121 = arith.constant 0 : i32
    %dma_start3A_122 = arith.constant 0 : i32
    %dma_start3A_123 = arith.constant 0 : i32
    %dma_start3A_124 = tpu.memref_slice %arg11[%dma_start3A_121, %dma_start3A_122, %dma_start3A_123] : memref<2x32x512xf32, #tpu.memory_space<vmem>> -> memref<1x32x512xf32, #tpu.memory_space<vmem>>
    %dma_start3A_125 = tpu.memref_squeeze %dma_start3A_124 : memref<1x32x512xf32, #tpu.memory_space<vmem>> -> memref<32x512xf32, #tpu.memory_space<vmem>>
    %dma_start3A_126 = arith.constant 64 : i32
    %dma_start3A_127 = tpu.memref_slice %arg8[%dma_start3A_126] : memref<128xi32, #tpu.memory_space<vmem>> -> memref<32xi32, #tpu.memory_space<vmem>>
    %dma_start3A_128 = arith.constant 0 : i32
    %dma_start3A_129 = arith.constant 0 : i32
    %dma_start3A_130 = tpu.memref_slice %arg5[%dma_start3A_128, %dma_start3A_129] : memref<1000x512xf32, #tpu.memory_space<hbm>> -> memref<1000x512xf32, #tpu.memory_space<hbm>>
    tpu.enqueue_indirect_dma source(%dma_start3A_130 : memref<1000x512xf32, #tpu.memory_space<hbm>>) target(%dma_start3A_125 : memref<32x512xf32, #tpu.memory_space<vmem>>) offsets(%dma_start3A_127 : memref<32xi32, #tpu.memory_space<vmem>>) semaphore(%arg17 : memref<!tpu.dma_semaphore, #tpu.memory_space<semaphore_mem>>)
    %dma_start3A_131 = arith.constant 0 : i32
    %dma_start3A_132 = arith.constant 0 : i32
    %dma_start3A_133 = arith.constant 0 : i32
    %dma_start3A_134 = tpu.memref_slice %arg12[%dma_start3A_131, %dma_start3A_132, %dma_start3A_133] : memref<2x32x512xf32, #tpu.memory_space<vmem>> -> memref<1x32x512xf32, #tpu.memory_space<vmem>>
    %dma_start3A_135 = tpu.memref_squeeze %dma_start3A_134 : memref<1x32x512xf32, #tpu.memory_space<vmem>> -> memref<32x512xf32, #tpu.memory_space<vmem>>
    %dma_start3A_136 = arith.constant 64 : i32
    %dma_start3A_137 = tpu.memref_slice %arg9[%dma_start3A_136] : memref<128xi32, #tpu.memory_space<vmem>> -> memref<32xi32, #tpu.memory_space<vmem>>
    %dma_start3A_138 = arith.constant 0 : i32
    %dma_start3A_139 = arith.constant 0 : i32
    %dma_start3A_140 = tpu.memref_slice %arg5[%dma_start3A_138, %dma_start3A_139] : memref<1000x512xf32, #tpu.memory_space<hbm>> -> memref<1000x512xf32, #tpu.memory_space<hbm>>
    tpu.enqueue_indirect_dma source(%dma_start3A_140 : memref<1000x512xf32, #tpu.memory_space<hbm>>) target(%dma_start3A_135 : memref<32x512xf32, #tpu.memory_space<vmem>>) offsets(%dma_start3A_137 : memref<32xi32, #tpu.memory_space<vmem>>) semaphore(%arg19 : memref<!tpu.dma_semaphore, #tpu.memory_space<semaphore_mem>>)
    %dma_wait3A_141 = arith.constant 1 : i32
    %dma_wait3A_142 = arith.constant 0 : i32
    %dma_wait3A_143 = arith.constant 0 : i32
    %dma_wait3A_144 = tpu.memref_slice %arg10[%dma_wait3A_141, %dma_wait3A_142, %dma_wait3A_143] : memref<2x32x512xf32, #tpu.memory_space<vmem>> -> memref<1x32x512xf32, #tpu.memory_space<vmem>>
    %dma_wait3A_145 = tpu.memref_squeeze %dma_wait3A_144 : memref<1x32x512xf32, #tpu.memory_space<vmem>> -> memref<32x512xf32, #tpu.memory_space<vmem>>
    %dma_wait3A_146 = arith.constant 0 : i32
    %dma_wait3A_147 = tpu.memref_slice %arg2[%add3A_40, %dma_wait3A_146] : memref<4096x512xf32, #tpu.memory_space<hbm>> -> memref<32x512xf32, #tpu.memory_space<hbm>>
    %dma_wait3A_148 = arith.constant 0 : i32
    %dma_wait3A_149 = arith.constant 0 : i32
    %dma_wait3A_150 = tpu.memref_slice %arg10[%dma_wait3A_141, %dma_wait3A_148, %dma_wait3A_149] : memref<2x32x512xf32, #tpu.memory_space<vmem>> -> memref<1x32x512xf32, #tpu.memory_space<vmem>>
    %dma_wait3A_151 = tpu.memref_squeeze %dma_wait3A_150 : memref<1x32x512xf32, #tpu.memory_space<vmem>> -> memref<32x512xf32, #tpu.memory_space<vmem>>
    %dma_wait3A_152 = arith.constant 0 : i32
    %dma_wait3A_153 = tpu.memref_slice %arg2[%add3A_40, %dma_wait3A_152] : memref<4096x512xf32, #tpu.memory_space<hbm>> -> memref<32x512xf32, #tpu.memory_space<hbm>>
    tpu.wait_dma2 semaphore(%arg16 : memref<!tpu.dma_semaphore, #tpu.memory_space<semaphore_mem>>) src(%dma_wait3A_153 : memref<32x512xf32, #tpu.memory_space<hbm>>) dst(%dma_wait3A_151 : memref<32x512xf32, #tpu.memory_space<vmem>>)
    %dma_wait3A_154 = arith.constant 1 : i32
    %dma_wait3A_155 = arith.constant 0 : i32
    %dma_wait3A_156 = arith.constant 0 : i32
    %dma_wait3A_157 = tpu.memref_slice %arg11[%dma_wait3A_154, %dma_wait3A_155, %dma_wait3A_156] : memref<2x32x512xf32, #tpu.memory_space<vmem>> -> memref<1x32x512xf32, #tpu.memory_space<vmem>>
    %dma_wait3A_158 = tpu.memref_squeeze %dma_wait3A_157 : memref<1x32x512xf32, #tpu.memory_space<vmem>> -> memref<32x512xf32, #tpu.memory_space<vmem>>
    %dma_wait3A_159 = arith.constant 32 : i32
    %dma_wait3A_160 = tpu.memref_slice %arg8[%dma_wait3A_159] : memref<128xi32, #tpu.memory_space<vmem>> -> memref<32xi32, #tpu.memory_space<vmem>>
    %dma_wait3A_161 = arith.constant 0 : i32
    %dma_wait3A_162 = arith.constant 0 : i32
    %dma_wait3A_163 = tpu.memref_slice %arg5[%dma_wait3A_161, %dma_wait3A_162] : memref<1000x512xf32, #tpu.memory_space<hbm>> -> memref<1000x512xf32, #tpu.memory_space<hbm>>
    tpu.wait_indirect_dma semaphore(%arg18 : memref<!tpu.dma_semaphore, #tpu.memory_space<semaphore_mem>>) src(%dma_wait3A_163 : memref<1000x512xf32, #tpu.memory_space<hbm>>) dst(%dma_wait3A_158 : memref<32x512xf32, #tpu.memory_space<vmem>>)
    %dma_wait3A_164 = arith.constant 1 : i32
    %dma_wait3A_165 = arith.constant 0 : i32
    %dma_wait3A_166 = arith.constant 0 : i32
    %dma_wait3A_167 = tpu.memref_slice %arg12[%dma_wait3A_164, %dma_wait3A_165, %dma_wait3A_166] : memref<2x32x512xf32, #tpu.memory_space<vmem>> -> memref<1x32x512xf32, #tpu.memory_space<vmem>>
    %dma_wait3A_168 = tpu.memref_squeeze %dma_wait3A_167 : memref<1x32x512xf32, #tpu.memory_space<vmem>> -> memref<32x512xf32, #tpu.memory_space<vmem>>
    %dma_wait3A_169 = arith.constant 32 : i32
    %dma_wait3A_170 = tpu.memref_slice %arg9[%dma_wait3A_169] : memref<128xi32, #tpu.memory_space<vmem>> -> memref<32xi32, #tpu.memory_space<vmem>>
    %dma_wait3A_171 = arith.constant 0 : i32
    %dma_wait3A_172 = arith.constant 0 : i32
    %dma_wait3A_173 = tpu.memref_slice %arg5[%dma_wait3A_171, %dma_wait3A_172] : memref<1000x512xf32, #tpu.memory_space<hbm>> -> memref<1000x512xf32, #tpu.memory_space<hbm>>
    tpu.wait_indirect_dma semaphore(%arg20 : memref<!tpu.dma_semaphore, #tpu.memory_space<semaphore_mem>>) src(%dma_wait3A_173 : memref<1000x512xf32, #tpu.memory_space<hbm>>) dst(%dma_wait3A_168 : memref<32x512xf32, #tpu.memory_space<vmem>>)
    %add3A_174 = arith.constant 96 : i32
    %add3A_175 = arith.addi %mul3A_2, %add3A_174 : i32
    %dma_start3A_176 = arith.constant 1 : i32
    %dma_start3A_177 = arith.constant 0 : i32
    %dma_start3A_178 = arith.constant 0 : i32
    %dma_start3A_179 = tpu.memref_slice %arg10[%dma_start3A_176, %dma_start3A_177, %dma_start3A_178] : memref<2x32x512xf32, #tpu.memory_space<vmem>> -> memref<1x32x512xf32, #tpu.memory_space<vmem>>
    %dma_start3A_180 = tpu.memref_squeeze %dma_start3A_179 : memref<1x32x512xf32, #tpu.memory_space<vmem>> -> memref<32x512xf32, #tpu.memory_space<vmem>>
    %dma_start3A_181 = arith.constant 0 : i32
    %dma_start3A_182 = tpu.memref_slice %arg2[%add3A_175, %dma_start3A_181] : memref<4096x512xf32, #tpu.memory_space<hbm>> -> memref<32x512xf32, #tpu.memory_space<hbm>>
    %dma_start3A_183 = arith.constant 0 : i32
    %dma_start3A_184 = arith.constant 0 : i32
    %dma_start3A_185 = tpu.memref_slice %arg10[%dma_start3A_176, %dma_start3A_183, %dma_start3A_184] : memref<2x32x512xf32, #tpu.memory_space<vmem>> -> memref<1x32x512xf32, #tpu.memory_space<vmem>>
    %dma_start3A_186 = tpu.memref_squeeze %dma_start3A_185 : memref<1x32x512xf32, #tpu.memory_space<vmem>> -> memref<32x512xf32, #tpu.memory_space<vmem>>
    %dma_start3A_187 = arith.constant 0 : i32
    %dma_start3A_188 = tpu.memref_slice %arg2[%add3A_175, %dma_start3A_187] : memref<4096x512xf32, #tpu.memory_space<hbm>> -> memref<32x512xf32, #tpu.memory_space<hbm>>
    tpu.enqueue_dma source(%dma_start3A_188 : memref<32x512xf32, #tpu.memory_space<hbm>>) target(%dma_start3A_186 : memref<32x512xf32, #tpu.memory_space<vmem>>) target_semaphore(%arg16 : memref<!tpu.dma_semaphore, #tpu.memory_space<semaphore_mem>>)
    %dma_start3A_189 = arith.constant 1 : i32
    %dma_start3A_190 = arith.constant 0 : i32
    %dma_start3A_191 = arith.constant 0 : i32
    %dma_start3A_192 = tpu.memref_slice %arg11[%dma_start3A_189, %dma_start3A_190, %dma_start3A_191] : memref<2x32x512xf32, #tpu.memory_space<vmem>> -> memref<1x32x512xf32, #tpu.memory_space<vmem>>
    %dma_start3A_193 = tpu.memref_squeeze %dma_start3A_192 : memref<1x32x512xf32, #tpu.memory_space<vmem>> -> memref<32x512xf32, #tpu.memory_space<vmem>>
    %dma_start3A_194 = arith.constant 96 : i32
    %dma_start3A_195 = tpu.memref_slice %arg8[%dma_start3A_194] : memref<128xi32, #tpu.memory_space<vmem>> -> memref<32xi32, #tpu.memory_space<vmem>>
    %dma_start3A_196 = arith.constant 0 : i32
    %dma_start3A_197 = arith.constant 0 : i32
    %dma_start3A_198 = tpu.memref_slice %arg5[%dma_start3A_196, %dma_start3A_197] : memref<1000x512xf32, #tpu.memory_space<hbm>> -> memref<1000x512xf32, #tpu.memory_space<hbm>>
    tpu.enqueue_indirect_dma source(%dma_start3A_198 : memref<1000x512xf32, #tpu.memory_space<hbm>>) target(%dma_start3A_193 : memref<32x512xf32, #tpu.memory_space<vmem>>) offsets(%dma_start3A_195 : memref<32xi32, #tpu.memory_space<vmem>>) semaphore(%arg18 : memref<!tpu.dma_semaphore, #tpu.memory_space<semaphore_mem>>)
    %dma_start3A_199 = arith.constant 1 : i32
    %dma_start3A_200 = arith.constant 0 : i32
    %dma_start3A_201 = arith.constant 0 : i32
    %dma_start3A_202 = tpu.memref_slice %arg12[%dma_start3A_199, %dma_start3A_200, %dma_start3A_201] : memref<2x32x512xf32, #tpu.memory_space<vmem>> -> memref<1x32x512xf32, #tpu.memory_space<vmem>>
    %dma_start3A_203 = tpu.memref_squeeze %dma_start3A_202 : memref<1x32x512xf32, #tpu.memory_space<vmem>> -> memref<32x512xf32, #tpu.memory_space<vmem>>
    %dma_start3A_204 = arith.constant 96 : i32
    %dma_start3A_205 = tpu.memref_slice %arg9[%dma_start3A_204] : memref<128xi32, #tpu.memory_space<vmem>> -> memref<32xi32, #tpu.memory_space<vmem>>
    %dma_start3A_206 = arith.constant 0 : i32
    %dma_start3A_207 = arith.constant 0 : i32
    %dma_start3A_208 = tpu.memref_slice %arg5[%dma_start3A_206, %dma_start3A_207] : memref<1000x512xf32, #tpu.memory_space<hbm>> -> memref<1000x512xf32, #tpu.memory_space<hbm>>
    tpu.enqueue_indirect_dma source(%dma_start3A_208 : memref<1000x512xf32, #tpu.memory_space<hbm>>) target(%dma_start3A_203 : memref<32x512xf32, #tpu.memory_space<vmem>>) offsets(%dma_start3A_205 : memref<32xi32, #tpu.memory_space<vmem>>) semaphore(%arg20 : memref<!tpu.dma_semaphore, #tpu.memory_space<semaphore_mem>>)
    %dma_wait3A_209 = arith.constant 0 : i32
    %dma_wait3A_210 = arith.constant 0 : i32
    %dma_wait3A_211 = arith.constant 0 : i32
    %dma_wait3A_212 = tpu.memref_slice %arg10[%dma_wait3A_209, %dma_wait3A_210, %dma_wait3A_211] : memref<2x32x512xf32, #tpu.memory_space<vmem>> -> memref<1x32x512xf32, #tpu.memory_space<vmem>>
    %dma_wait3A_213 = tpu.memref_squeeze %dma_wait3A_212 : memref<1x32x512xf32, #tpu.memory_space<vmem>> -> memref<32x512xf32, #tpu.memory_space<vmem>>
    %dma_wait3A_214 = arith.constant 0 : i32
    %dma_wait3A_215 = tpu.memref_slice %arg2[%add3A_107, %dma_wait3A_214] : memref<4096x512xf32, #tpu.memory_space<hbm>> -> memref<32x512xf32, #tpu.memory_space<hbm>>
    %dma_wait3A_216 = arith.constant 0 : i32
    %dma_wait3A_217 = arith.constant 0 : i32
    %dma_wait3A_218 = tpu.memref_slice %arg10[%dma_wait3A_209, %dma_wait3A_216, %dma_wait3A_217] : memref<2x32x512xf32, #tpu.memory_space<vmem>> -> memref<1x32x512xf32, #tpu.memory_space<vmem>>
    %dma_wait3A_219 = tpu.memref_squeeze %dma_wait3A_218 : memref<1x32x512xf32, #tpu.memory_space<vmem>> -> memref<32x512xf32, #tpu.memory_space<vmem>>
    %dma_wait3A_220 = arith.constant 0 : i32
    %dma_wait3A_221 = tpu.memref_slice %arg2[%add3A_107, %dma_wait3A_220] : memref<4096x512xf32, #tpu.memory_space<hbm>> -> memref<32x512xf32, #tpu.memory_space<hbm>>
    tpu.wait_dma2 semaphore(%arg15 : memref<!tpu.dma_semaphore, #tpu.memory_space<semaphore_mem>>) src(%dma_wait3A_221 : memref<32x512xf32, #tpu.memory_space<hbm>>) dst(%dma_wait3A_219 : memref<32x512xf32, #tpu.memory_space<vmem>>)
    %dma_wait3A_222 = arith.constant 0 : i32
    %dma_wait3A_223 = arith.constant 0 : i32
    %dma_wait3A_224 = arith.constant 0 : i32
    %dma_wait3A_225 = tpu.memref_slice %arg11[%dma_wait3A_222, %dma_wait3A_223, %dma_wait3A_224] : memref<2x32x512xf32, #tpu.memory_space<vmem>> -> memref<1x32x512xf32, #tpu.memory_space<vmem>>
    %dma_wait3A_226 = tpu.memref_squeeze %dma_wait3A_225 : memref<1x32x512xf32, #tpu.memory_space<vmem>> -> memref<32x512xf32, #tpu.memory_space<vmem>>
    %dma_wait3A_227 = arith.constant 64 : i32
    %dma_wait3A_228 = tpu.memref_slice %arg8[%dma_wait3A_227] : memref<128xi32, #tpu.memory_space<vmem>> -> memref<32xi32, #tpu.memory_space<vmem>>
    %dma_wait3A_229 = arith.constant 0 : i32
    %dma_wait3A_230 = arith.constant 0 : i32
    %dma_wait3A_231 = tpu.memref_slice %arg5[%dma_wait3A_229, %dma_wait3A_230] : memref<1000x512xf32, #tpu.memory_space<hbm>> -> memref<1000x512xf32, #tpu.memory_space<hbm>>
    tpu.wait_indirect_dma semaphore(%arg17 : memref<!tpu.dma_semaphore, #tpu.memory_space<semaphore_mem>>) src(%dma_wait3A_231 : memref<1000x512xf32, #tpu.memory_space<hbm>>) dst(%dma_wait3A_226 : memref<32x512xf32, #tpu.memory_space<vmem>>)
    %dma_wait3A_232 = arith.constant 0 : i32
    %dma_wait3A_233 = arith.constant 0 : i32
    %dma_wait3A_234 = arith.constant 0 : i32
    %dma_wait3A_235 = tpu.memref_slice %arg12[%dma_wait3A_232, %dma_wait3A_233, %dma_wait3A_234] : memref<2x32x512xf32, #tpu.memory_space<vmem>> -> memref<1x32x512xf32, #tpu.memory_space<vmem>>
    %dma_wait3A_236 = tpu.memref_squeeze %dma_wait3A_235 : memref<1x32x512xf32, #tpu.memory_space<vmem>> -> memref<32x512xf32, #tpu.memory_space<vmem>>
    %dma_wait3A_237 = arith.constant 64 : i32
    %dma_wait3A_238 = tpu.memref_slice %arg9[%dma_wait3A_237] : memref<128xi32, #tpu.memory_space<vmem>> -> memref<32xi32, #tpu.memory_space<vmem>>
    %dma_wait3A_239 = arith.constant 0 : i32
    %dma_wait3A_240 = arith.constant 0 : i32
    %dma_wait3A_241 = tpu.memref_slice %arg5[%dma_wait3A_239, %dma_wait3A_240] : memref<1000x512xf32, #tpu.memory_space<hbm>> -> memref<1000x512xf32, #tpu.memory_space<hbm>>
    tpu.wait_indirect_dma semaphore(%arg19 : memref<!tpu.dma_semaphore, #tpu.memory_space<semaphore_mem>>) src(%dma_wait3A_241 : memref<1000x512xf32, #tpu.memory_space<hbm>>) dst(%dma_wait3A_236 : memref<32x512xf32, #tpu.memory_space<vmem>>)
    %dma_wait3A_242 = arith.constant 1 : i32
    %dma_wait3A_243 = arith.constant 0 : i32
    %dma_wait3A_244 = arith.constant 0 : i32
    %dma_wait3A_245 = tpu.memref_slice %arg10[%dma_wait3A_242, %dma_wait3A_243, %dma_wait3A_244] : memref<2x32x512xf32, #tpu.memory_space<vmem>> -> memref<1x32x512xf32, #tpu.memory_space<vmem>>
    %dma_wait3A_246 = tpu.memref_squeeze %dma_wait3A_245 : memref<1x32x512xf32, #tpu.memory_space<vmem>> -> memref<32x512xf32, #tpu.memory_space<vmem>>
    %dma_wait3A_247 = arith.constant 0 : i32
    %dma_wait3A_248 = tpu.memref_slice %arg2[%add3A_175, %dma_wait3A_247] : memref<4096x512xf32, #tpu.memory_space<hbm>> -> memref<32x512xf32, #tpu.memory_space<hbm>>
    %dma_wait3A_249 = arith.constant 0 : i32
    %dma_wait3A_250 = arith.constant 0 : i32
    %dma_wait3A_251 = tpu.memref_slice %arg10[%dma_wait3A_242, %dma_wait3A_249, %dma_wait3A_250] : memref<2x32x512xf32, #tpu.memory_space<vmem>> -> memref<1x32x512xf32, #tpu.memory_space<vmem>>
    %dma_wait3A_252 = tpu.memref_squeeze %dma_wait3A_251 : memref<1x32x512xf32, #tpu.memory_space<vmem>> -> memref<32x512xf32, #tpu.memory_space<vmem>>
    %dma_wait3A_253 = arith.constant 0 : i32
    %dma_wait3A_254 = tpu.memref_slice %arg2[%add3A_175, %dma_wait3A_253] : memref<4096x512xf32, #tpu.memory_space<hbm>> -> memref<32x512xf32, #tpu.memory_space<hbm>>
    tpu.wait_dma2 semaphore(%arg16 : memref<!tpu.dma_semaphore, #tpu.memory_space<semaphore_mem>>) src(%dma_wait3A_254 : memref<32x512xf32, #tpu.memory_space<hbm>>) dst(%dma_wait3A_252 : memref<32x512xf32, #tpu.memory_space<vmem>>)
    %dma_wait3A_255 = arith.constant 1 : i32
    %dma_wait3A_256 = arith.constant 0 : i32
    %dma_wait3A_257 = arith.constant 0 : i32
    %dma_wait3A_258 = tpu.memref_slice %arg11[%dma_wait3A_255, %dma_wait3A_256, %dma_wait3A_257] : memref<2x32x512xf32, #tpu.memory_space<vmem>> -> memref<1x32x512xf32, #tpu.memory_space<vmem>>
    %dma_wait3A_259 = tpu.memref_squeeze %dma_wait3A_258 : memref<1x32x512xf32, #tpu.memory_space<vmem>> -> memref<32x512xf32, #tpu.memory_space<vmem>>
    %dma_wait3A_260 = arith.constant 96 : i32
    %dma_wait3A_261 = tpu.memref_slice %arg8[%dma_wait3A_260] : memref<128xi32, #tpu.memory_space<vmem>> -> memref<32xi32, #tpu.memory_space<vmem>>
    %dma_wait3A_262 = arith.constant 0 : i32
    %dma_wait3A_263 = arith.constant 0 : i32
    %dma_wait3A_264 = tpu.memref_slice %arg5[%dma_wait3A_262, %dma_wait3A_263] : memref<1000x512xf32, #tpu.memory_space<hbm>> -> memref<1000x512xf32, #tpu.memory_space<hbm>>
    tpu.wait_indirect_dma semaphore(%arg18 : memref<!tpu.dma_semaphore, #tpu.memory_space<semaphore_mem>>) src(%dma_wait3A_264 : memref<1000x512xf32, #tpu.memory_space<hbm>>) dst(%dma_wait3A_259 : memref<32x512xf32, #tpu.memory_space<vmem>>)
    %dma_wait3A_265 = arith.constant 1 : i32
    %dma_wait3A_266 = arith.constant 0 : i32
    %dma_wait3A_267 = arith.constant 0 : i32
    %dma_wait3A_268 = tpu.memref_slice %arg12[%dma_wait3A_265, %dma_wait3A_266, %dma_wait3A_267] : memref<2x32x512xf32, #tpu.memory_space<vmem>> -> memref<1x32x512xf32, #tpu.memory_space<vmem>>
    %dma_wait3A_269 = tpu.memref_squeeze %dma_wait3A_268 : memref<1x32x512xf32, #tpu.memory_space<vmem>> -> memref<32x512xf32, #tpu.memory_space<vmem>>
    %dma_wait3A_270 = arith.constant 96 : i32
    %dma_wait3A_271 = tpu.memref_slice %arg9[%dma_wait3A_270] : memref<128xi32, #tpu.memory_space<vmem>> -> memref<32xi32, #tpu.memory_space<vmem>>
    %dma_wait3A_272 = arith.constant 0 : i32
    %dma_wait3A_273 = arith.constant 0 : i32
    %dma_wait3A_274 = tpu.memref_slice %arg5[%dma_wait3A_272, %dma_wait3A_273] : memref<1000x512xf32, #tpu.memory_space<hbm>> -> memref<1000x512xf32, #tpu.memory_space<hbm>>
    tpu.wait_indirect_dma semaphore(%arg20 : memref<!tpu.dma_semaphore, #tpu.memory_space<semaphore_mem>>) src(%dma_wait3A_274 : memref<1000x512xf32, #tpu.memory_space<hbm>>) dst(%dma_wait3A_269 : memref<32x512xf32, #tpu.memory_space<vmem>>)
    "tpu.region"() ({
      %run_scoped3A = tpu.sem_alloc : memref<!tpu.dma_semaphore, #tpu.memory_space<semaphore_mem>>
      %dma_start3A_275 = tpu.memref_slice %arg6[%mul3A_2] : memref<4096xf32, #tpu.memory_space<hbm>> -> memref<128xf32, #tpu.memory_space<hbm>>
      %dma_start3A_276 = tpu.memref_slice %arg6[%mul3A_2] : memref<4096xf32, #tpu.memory_space<hbm>> -> memref<128xf32, #tpu.memory_space<hbm>>
      tpu.enqueue_dma source(%arg13 : memref<128xf32, #tpu.memory_space<vmem>>) target(%dma_start3A_276 : memref<128xf32, #tpu.memory_space<hbm>>) target_semaphore(%run_scoped3A : memref<!tpu.dma_semaphore, #tpu.memory_space<semaphore_mem>>)
      %dma_wait3A_277 = tpu.memref_slice %arg6[%mul3A_2] : memref<4096xf32, #tpu.memory_space<hbm>> -> memref<128xf32, #tpu.memory_space<hbm>>
      %dma_wait3A_278 = tpu.memref_slice %arg6[%mul3A_2] : memref<4096xf32, #tpu.memory_space<hbm>> -> memref<128xf32, #tpu.memory_space<hbm>>
      tpu.wait_dma2 semaphore(%run_scoped3A : memref<!tpu.dma_semaphore, #tpu.memory_space<semaphore_mem>>) src(%arg13 : memref<128xf32, #tpu.memory_space<vmem>>) dst(%dma_wait3A_278 : memref<128xf32, #tpu.memory_space<hbm>>)
      tpu.yield
    }) : () -> ()
    "tpu.region"() ({
      %run_scoped3A = tpu.sem_alloc : memref<!tpu.dma_semaphore, #tpu.memory_space<semaphore_mem>>
      %dma_start3A_275 = tpu.memref_slice %arg7[%mul3A_2] : memref<4096xf32, #tpu.memory_space<hbm>> -> memref<128xf32, #tpu.memory_space<hbm>>
      %dma_start3A_276 = tpu.memref_slice %arg7[%mul3A_2] : memref<4096xf32, #tpu.memory_space<hbm>> -> memref<128xf32, #tpu.memory_space<hbm>>
      tpu.enqueue_dma source(%arg14 : memref<128xf32, #tpu.memory_space<vmem>>) target(%dma_start3A_276 : memref<128xf32, #tpu.memory_space<hbm>>) target_semaphore(%run_scoped3A : memref<!tpu.dma_semaphore, #tpu.memory_space<semaphore_mem>>)
      %dma_wait3A_277 = tpu.memref_slice %arg7[%mul3A_2] : memref<4096xf32, #tpu.memory_space<hbm>> -> memref<128xf32, #tpu.memory_space<hbm>>
      %dma_wait3A_278 = tpu.memref_slice %arg7[%mul3A_2] : memref<4096xf32, #tpu.memory_space<hbm>> -> memref<128xf32, #tpu.memory_space<hbm>>
      tpu.wait_dma2 semaphore(%run_scoped3A : memref<!tpu.dma_semaphore, #tpu.memory_space<semaphore_mem>>) src(%arg14 : memref<128xf32, #tpu.memory_space<vmem>>) dst(%dma_wait3A_278 : memref<128xf32, #tpu.memory_space<hbm>>)
      tpu.yield
    }) : () -> ()
    return
  }
}

module attributes {stable_mosaic.version = 14 : i64} {
  func.func @_finish_body(%arg0: memref<32x128xf32, #tpu.memory_space<vmem>>, %arg1: memref<32x128xf32, #tpu.memory_space<vmem>>, %arg2: memref<1x1xf32, #tpu.memory_space<vmem>>) attributes {dimension_semantics = [], scalar_prefetch = 0 : i64, scratch_operands = 0 : i64, tpu.core_type = #tpu.core_type<tc>} {
    %get3A = arith.constant 0 : index
    %get3A_0 = arith.constant 0 : index
    %get3A_1 = vector.load %arg0[%get3A, %get3A_0] : memref<32x128xf32, #tpu.memory_space<vmem>>, vector<32x128xf32>
    %sqrt3A = math.sqrt %get3A_1 : vector<32x128xf32>
    %get3A_2 = arith.constant 0 : index
    %get3A_3 = arith.constant 0 : index
    %get3A_4 = vector.load %arg1[%get3A_2, %get3A_3] : memref<32x128xf32, #tpu.memory_space<vmem>>, vector<32x128xf32>
    %sqrt3A_5 = math.sqrt %get3A_4 : vector<32x128xf32>
    %sub3A = arith.subf %sqrt3A, %sqrt3A_5 : vector<32x128xf32>
    %add3A = arith.constant 1.000000e+00 : f32
    %add3A_6 = vector.broadcast %add3A : f32 to vector<32x128xf32>
    %add3A_7 = arith.addf %sub3A, %add3A_6 : vector<32x128xf32>
    %max3A = arith.constant 0.000000e+00 : f32
    %max3A_8 = vector.broadcast %max3A : f32 to vector<32x128xf32>
    %max3A_9 = arith.maximumf %add3A_7, %max3A_8 : vector<32x128xf32>
    %reduce_sum3A = vector.shape_cast %max3A_9 : vector<32x128xf32> to vector<1x32x128xf32>
    %reduce_sum3A_10 = arith.constant dense<0.000000e+00> : vector<1xf32>
    %reduce_sum3A_11 = vector.multi_reduction <add>, %reduce_sum3A, %reduce_sum3A_10 [1, 2] : vector<1x32x128xf32> to vector<1xf32>
    %reduce_sum3A_12 = vector.shape_cast %reduce_sum3A_11 : vector<1xf32> to vector<1x1x1xf32>
    %reduce_sum3A_13 = vector.extract %reduce_sum3A_12[0, 0, 0] : f32 from vector<1x1x1xf32>
    %mul3A = arith.constant 2.44140625E-4 : f32
    %mul3A_14 = arith.mulf %reduce_sum3A_13, %mul3A : f32
    %broadcast_in_dim3A = vector.broadcast %mul3A_14 : f32 to vector<1x1xf32>
    %swap3A = arith.constant 0 : index
    %swap3A_15 = arith.constant 0 : index
    %swap3A_16 = vector.load %arg2[%swap3A, %swap3A_15] : memref<1x1xf32, #tpu.memory_space<vmem>>, vector<1x1xf32>
    tpu.vector_store %arg2[%swap3A, %swap3A_15], %broadcast_in_dim3A {strides = array<i32>} : memref<1x1xf32, #tpu.memory_space<vmem>>, vector<1x1xf32>,
    return
  }
}

module attributes {stable_mosaic.version = 14 : i64} {
  func.func @_argmax_body(%arg0: i32, %arg1: memref<1000x2048xf32, #tpu.memory_space<vmem>>, %arg2: memref<2048xi32, #tpu.memory_space<vmem>>, %arg3: memref<2048xi32, #tpu.memory_space<vmem>>) attributes {dimension_semantics = [#tpu.dimension_semantics<arbitrary>], iteration_bounds = array<i64: 2>, scalar_prefetch = 0 : i64, scratch_operands = 0 : i64, tpu.core_type = #tpu.core_type<tc>, window_params = [{transform_indices = @transform_0, window_bounds = array<i64: 1000, 2048>}, {transform_indices = @transform_1, window_bounds = array<i64: 2048>}, {transform_indices = @transform_2, window_bounds = array<i64: 2048>}]} {
    %get3A = arith.constant 0 : index
    %get3A_0 = arith.constant 0 : index
    %get3A_1 = vector.load %arg1[%get3A, %get3A_0] : memref<1000x2048xf32, #tpu.memory_space<vmem>>, vector<1000x2048xf32>
    %get3A_2 = arith.constant 0 : index
    %get3A_3 = vector.load %arg2[%get3A_2] : memref<2048xi32, #tpu.memory_space<vmem>>, vector<2048xi32>
    %reshape3A = vector.shape_cast %get3A_3 : vector<2048xi32> to vector<1x2048xi32>
    %iota3A = tpu.iota {dimensions = array<i32: 0>} : vector<1000x2048xi32>
    %eq3A = vector.broadcast %reshape3A : vector<1x2048xi32> to vector<1000x2048xi32>
    %eq3A_4 = arith.cmpi eq, %iota3A, %eq3A : vector<1000x2048xi32>
    %jit3A = arith.constant 0xFF800000 : f32
    %broadcast_in_dim3A = vector.broadcast %jit3A : f32 to vector<1000x2048xf32>
    %select_n3A = arith.select %eq3A_4, %broadcast_in_dim3A, %get3A_1 : vector<1000x2048xi1>, vector<1000x2048xf32>
    %argmax3A = tpu.reduce_index %select_n3A {axis = 0 : i32, kind = #tpu.reduction_kind<arg_max>} : vector<1000x2048xf32> -> vector<2048xi32>
    %swap3A = arith.constant 0 : index
    %swap3A_5 = vector.load %arg3[%swap3A] : memref<2048xi32, #tpu.memory_space<vmem>>, vector<2048xi32>
    tpu.vector_store %arg3[%swap3A], %argmax3A {strides = array<i32>} : memref<2048xi32, #tpu.memory_space<vmem>>, vector<2048xi32>,
    return
  }
  func.func @transform_0(%arg0: i32) -> (i32, i32) {
    %c0_i32 = arith.constant 0 : i32
    %c0_i32_0 = arith.constant 0 : i32
    return %c0_i32, %arg0 : i32, i32
  }
  func.func @transform_1(%arg0: i32) -> i32 {
    %c0_i32 = arith.constant 0 : i32
    return %arg0 : i32
  }
  func.func @transform_2(%arg0: i32) -> i32 {
    %c0_i32 = arith.constant 0 : i32
    return %arg0 : i32
  }
}

</mosaic_0001>

<sc_bundles>
// kernel: kernel.5.cloned.1.call-start
scs
__scs_entry_jumppad:
0x0: {  	(pc) =	sbr.rel $0x88, $3  }
0x1: {  	(tag) =	ssettag $0x0;
	lr =	simm.s32 $0x1  }
0x2: {  	[smem:$0x3F9D] =	sst lr;
	_ =	strace $0xD0000000  }
0x3: {  	_ = 	snop  }
0x4: {  	_ = 	snop  }
0x5: {  	_ = 	snop  }
0x6: {  	_ = 	snop  }
0x7: {  	_ = 	snop  }
__scs_overlays_trampoline_lowered:
0x8: {  	[smem:$0x3FAC] =	sst s0  }
0x9: {  	[smem:$0x3FAD] =	sst s1  }
0xa: {  	[smem:$0x3FAE] =	sst s2  }
0xb: {  	[smem:$0x3FAF] =	sst s3  }
0xc: {  	[smem:$0x3FB0] =	sst s4  }
0xd: {  	[smem:$0x3FB1] =	sst s5  }
0xe: {  	[smem:$0x3FB2] =	sst s6  }
0xf: {  	[smem:$0x3FB3] =	sst s7  }
0x10: {  	[smem:$0x3FB4] =	sst s8  }
0x11: {  	[smem:$0x3FB5] =	sst s9;
	s0 =	simm.s32 @!p0 $0x0  }
0x12: {  	s1 =	sld [smem:$0x3F9B];
	s0 =	simm.s32 @p0 $0x1  }
0x13: {  	[smem:$0x3FB6] =	sst s0;
	s0 =	simm.s32 @!p1 $0x0  }
0x14: {  	s2 =	sld [smem:$0x3F9A];
	s0 =	simm.s32 @p1 $0x1  }
0x15: {  	[smem:$0x3FB7] =	sst s0;
	s0 =	simm.s32 @!p2 $0x0  }
0x16: {  	s3 =	sld [smem:$0x3FDB];
	s0 =	simm.s32 @p2 $0x1  }
0x17: {  	s4 =	simm.s32 $0x1BF5;
	[smem:$0x3FB9] =	sst s0  }
0x18: {  	s0 =	sld [smem:$0x3F9C];
	_ =	swait.ge [sflag:s4], $0x0  }
0x19: {  	s7 =	sld [smem:$0x3F9D]  }
0x1a: {  	s8 =	sadd.s32 $0xFFFFE003, lr  }
0x1b: {  	s9 =	sadd.s32 $0xFFFFFEF7, lr;
	s5 =	simm.s32 $0xFFFFFFFF;
	p2 =	slt.u32 s8, $0xFFFFF086  }
0x1c: {  	p1 =	slt.u32 s9, $0xF7A;
	s5 =	simm.s32 @!p2 $0x0  }
0x1d: {  	s5 =	simm.s32 @p1 $0x1;
	p0 =	seq.s32 s7, s2  }
0x1e: {  	s7 =	smul.u32 @!p0 $0xF7A, s2;
	p2 =	seq.s32 @!p0 s5, $0x0  }
0x1f: {  	s9 =	smul.u32 $0xF7A, s1;
	s8 =	simm.s32 @!p0 $0x1BF5;
	p2 =	por !p2, p0  }
0x20: {  	[sflag:s8] =	ssyncset.s32 @!p0 $0xFFFFF086;
	s6 =	sadd.s32 @!p0 s3, s7;
	s7 =	simm.s32 @!p0 $0x108  }
0x21: {  	s3 =	sadd.s32 s3, s9;
	s6 =	sadd.s32 @!p0 $0x88, s6;
	s7 =	simm.s32 @p2 $0x1082  }
0x22: {  	[simem:s7], [sflag:s8] =	dma.local @!p0 [hbm:s6], $0xF7A  }
0x23: {  	s9 =	sor.u32 $0xD0000000, s2;
	s6 =	simm.s32 $0x108;
	_ =	swait.ge @!p0 [sflag:s8], $0x0  }
0x24: {  	s3 =	sadd.s32 $0x88, s3;
	s6 =	simm.s32 @!p1 $0x1082;
	[sflag:s4] =	ssyncset.s32 $0xFFFFF086  }
0x25: {  	[simem:s6], [sflag:s4] =	dma.local [hbm:s3], $0xF7A  }
0x26: {  	[smem:$0x3F9D] =	sst s1;
	(tag) =	ssettag s2;
	_ =	strace s9  }
0x27: {  	s1 =	sld [smem:$0x3FAD]  }
0x28: {  	s2 =	sld [smem:$0x3FAE]  }
0x29: {  	s4 =	sld [smem:$0x3FB0]  }
0x2a: {  	p0 =	seq.s32 s5, $0x0;
	s5 =	sld [smem:$0x3FB1]  }
0x2b: {  	s6 =	sld [smem:$0x3FB2]  }
0x2c: {  	s7 =	sld [smem:$0x3FB3]  }
0x2d: {  	s3 =	simm.s32 $0x108;
	s8 =	sld [smem:$0x3FB4]  }
0x2e: {  	s3 =	simm.s32 @!p0 $0x1082;
	s9 =	sld [smem:$0x3FB5]  }
0x2f: {  	lr =	sadd.s32 s0, s3;
	s0 =	sld [smem:$0x3FAC]  }
0x30: {  	s3 =	sld [smem:$0x3FAF]  }
0x31: {  	[smem:$0x3FB8] =	sst s10  }
0x32: {  	s10 =	sld [smem:$0x3FB6];
	_ =	sdelay $0x3  }
0x33: {  	p0 =	seq.s32 s10, $0x1;
	s10 =	sld [smem:$0x3FB8];
	_ =	sdelay $0x3  }
0x34: {  	[smem:$0x3FB8] =	sst s10  }
0x35: {  	s10 =	sld [smem:$0x3FB7];
	_ =	sdelay $0x3  }
0x36: {  	p1 =	seq.s32 s10, $0x1;
	s10 =	sld [smem:$0x3FB8];
	_ =	sdelay $0x3  }
0x37: {  	[smem:$0x3FB8] =	sst s10  }
0x38: {  	s10 =	sld [smem:$0x3FB9]  }
0x39: {  	_ = 	snop;
	(pc) =	sbr.ind lr, $3  }
0x3a: {  	_ = 	snop  }
0x3b: {  	_ = 	snop  }
0x3c: {  	p2 =	seq.s32 s10, $0x1;
	s10 =	sld [smem:$0x3FB8]  }
0x3d: {  	_ =	shalt  }
0x3e: {  	_ =	shalt  }
0x3f: {  	_ =	shalt  }
0x40: {  	_ =	shalt  }
0x41: {  	_ =	shalt  }
0x42: {  	_ =	shalt  }
0x43: {  	_ =	shalt  }
0x44: {  	_ =	shalt  }
0x45: {  	_ =	shalt  }
0x46: {  	_ =	shalt  }
0x47: {  	_ =	shalt  }
0x48: {  	_ =	shalt  }
0x49: {  	_ =	shalt  }
0x4a: {  	_ =	shalt  }
0x4b: {  	_ =	shalt  }
0x4c: {  	_ =	shalt  }
0x4d: {  	_ =	shalt  }
0x4e: {  	_ =	shalt  }
0x4f: {  	_ =	shalt  }
0x50: {  	_ =	shalt  }
0x51: {  	_ =	shalt  }
0x52: {  	_ =	shalt  }
0x53: {  	_ =	shalt  }
0x54: {  	_ =	shalt  }
0x55: {  	_ =	shalt  }
0x56: {  	_ =	shalt  }
0x57: {  	_ =	shalt  }
0x58: {  	_ =	shalt  }
0x59: {  	_ =	shalt  }
0x5a: {  	_ =	shalt  }
0x5b: {  	_ =	shalt  }
0x5c: {  	_ =	shalt  }
0x5d: {  	_ =	shalt  }
0x5e: {  	_ =	shalt  }
0x5f: {  	_ =	shalt  }
0x60: {  	_ =	shalt  }
0x61: {  	_ =	shalt  }
0x62: {  	_ =	shalt  }
0x63: {  	_ =	shalt  }
0x64: {  	_ =	shalt  }
0x65: {  	_ =	shalt  }
0x66: {  	_ =	shalt  }
0x67: {  	_ =	shalt  }
0x68: {  	_ =	shalt  }
0x69: {  	_ =	shalt  }
0x6a: {  	_ =	shalt  }
0x6b: {  	_ =	shalt  }
0x6c: {  	_ =	shalt  }
0x6d: {  	_ =	shalt  }
0x6e: {  	_ =	shalt  }
0x6f: {  	_ =	shalt  }
0x70: {  	_ =	shalt  }
0x71: {  	_ =	shalt  }
0x72: {  	_ =	shalt  }
0x73: {  	_ =	shalt  }
0x74: {  	_ =	shalt  }
0x75: {  	_ =	shalt  }
0x76: {  	_ =	shalt  }
0x77: {  	_ =	shalt  }
0x78: {  	_ =	shalt  }
0x79: {  	_ =	shalt  }
0x7a: {  	_ =	shalt  }
0x7b: {  	_ =	shalt  }
0x7c: {  	_ =	shalt  }
0x7d: {  	_ =	shalt  }
0x7e: {  	_ =	shalt  }
0x7f: {  	_ =	shalt  }
0x80: {  	_ =	shalt  }
0x81: {  	_ =	shalt  }
0x82: {  	_ =	shalt  }
0x83: {  	_ =	shalt  }
0x84: {  	_ =	shalt  }
0x85: {  	_ =	shalt  }
0x86: {  	_ =	shalt  }
0x87: {  	_ =	shalt  }
.Lfunc_end0:
.L_simem_size_0:
called_computation_lowered:
.L_overlay_start_0:
0x88: {  	s2 =	sld [smem:$0x3FD9]  }
0x89: {  	s3 =	sld [smem:$0x3FFE];
	_ =	sdelay $0x1  }
0x8a: {  	s1 =	srdreg.scid  }
0x8b: {  	s0 =	sand.u32 $0x1, s1  }
0x8c: {  	s17 =	sshll.u32 s0, $0xA;
	s2 =	sadd.s32 s3, s2  }
0x8d: {  	s2 =	sadd.s32 s2, s17  }
0x8e: {  	[smem:$0x3FC4] =	sst s2  }
0x8f: {  	_ = 	snop  }
0x90: {  	s2 =	sld [smem:$0x3FC9]  }
0x91: {  	s18 =	sld [smem:$0x3FC7]  }
0x92: {  	s4 =	sld [smem:$0x3FC6];
	(tm) =	ssettm $0x1  }
0x93: {  	s5 =	sld [smem:$0x3FFB];
	_ =	sdelay $0x3  }
0x94: {  	_ =	strace s5  }
0x95: {  	s5 =	sld [smem:$0x3FFC];
	_ =	sdelay $0x3  }
0x96: {  	_ =	strace s5  }
0x97: {  	s5 =	sld [smem:$0x3FFD];
	_ =	sdelay $0x3  }
0x98: {  	_ =	strace s5  }
0x99: {  	_ =	strace $0x8FFFFFFF  }
0x9a: {  	s19 =	sld [smem:$0x3FDB];
	_ =	sdelay $0x1  }
0x9b: {  	s6 =	simm.s32 $_scs_section_size  }
0x9c: {  	s7 =	simm.s32 $_size__tile_overlayer_lowered;
	s8 =	simm.s32 $_tile_overlayer_lowered  }
0x9d: {  	s22 =	simm.s32 $0x1BFF;
	s21 =	sshll.u32 s8, $0x1;
	s5 =	sadd.s32 s6, s19  }
0x9e: {  	s9 =	simm.s32 $0x0;
	s20 =	sshll.u32 s7, $0x1;
	s7 =	sadd.s32 s21, s5  }
0x9f: {  	[timem:s9], [sflag:s22] =	dma.local [hbm:s7], s20  }
0xa0: {  	_ =	swait.ge [sflag:s22], s20  }
0xa1: {  	s6 =	ssub.s32 $0x0, s20;
	[sflag:s22] =	ssyncset.done $0x0  }
0xa2: {  	[sflag:s22] =	ssyncadd.s32 s6;
	_ =	sdelay $0x1  }
0xa3: {  	s23 =	simm.s32 $0x1B8B  }
0xa4: {  	_ =	swait.ge [sflag:s23], $0x1  }
0xa5: {  	[sflag:s23] =	ssyncset.done $0x0  }
0xa6: {  	s25 =	simm.s32 $0x1B8E;
	s24 =	sld [smem:$0x3FFE];
	[sflag:s23] =	ssyncadd.s32 $0xFFFFFFFF  }
0xa7: {  	s26 =	simm.s32 $execute0_lowered;
	[smem:$0x3FD2] =	sst s25  }
0xa8: {  	s7 =	sshll.u32 s26, $0x1;
	_ =	strace $0x80000046;
	[dreg:$0x1] =	wrdreg $0xFFFFFFFF  }
0xa9: {  	s28 =	simm.s32 $_size_execute0_lowered;
	s5 =	sadd.s32 s5, s7;
	[dreg:$0x0] =	wrdreg $0x0  }
0xaa: {  	s7 =	sshll.u32 s28, $0x1;
	[dreg:$0x2] =	wrdreg s5  }
0xab: {  	[dreg:$0x3] =	wrdreg s7  }
0xac: {  	[dreg:$0x4] =	wrdreg $0xC0  }
0xad: {  	_ =	task [dreg:s9], $0x5FFFF  }
0xae: {  	[dreg:$0x1] =	wrdreg $0xFFFFFFFF  }
0xaf: {  	[dreg:$0x0] =	wrdreg $0x60  }
0xb0: {  	[dreg:$0x2] =	wrdreg s2  }
0xb1: {  	[dreg:$0x3] =	wrdreg s18  }
0xb2: {  	[dreg:$0x4] =	wrdreg s24  }
0xb3: {  	[dreg:$0x5] =	wrdreg s4  }
0xb4: {  	[dreg:$0x6] =	wrdreg $0x9  }
0xb5: {  	_ =	task.clear_ibuf [dreg:s9], $0x7FFFF;
	_ =	strace $0x90000046  }
0xb6: {  	s29 =	simm.s32 $0x9;
	_ =	strace $0x80000048  }
0xb7: {  	_ =	swait.ge [sflag:s29], $0x1  }
0xb8: {  	[sflag:s29] =	ssyncadd.s32 $0xFFFFFFFF  }
0xb9: {  	_ =	strace $0x90000048  }
0xba: {  	_ =	sfence  }
0xbb: {  	s30 =	sld [smem:$0x0];
	_ =	sdelay $0x2  }
0xbc: {  	s31 =	sshll.u32 s1, $0xD;
	s1 =	sshrl.u32 s1, $0x2  }
0xbd: {  	s3 =	sand.u32 $0x4000, s31;
	s1 =	sadd.s32 s1, s30  }
0xbe: {  	s0 =	sor.u32 s3, s0;
	s1 =	sshll.u32 s1, $0x11  }
0xbf: {  	s0 =	sor.u32 s1, s0  }
0xc0: {  	s0 =	sadd.s32 $0x8F2B, s0  }
0xc1: {  	[sflag:s0] =	ssyncadd.remote.s32 $0x1  }
0xc2: {  	_ =	sfence.sel $0xFFFF  }
0xc3: {  	[dreg:$0x0] =	wrdreg $0xFFFFFFFF;
	(pc) =	sbr.abs _section_cstart, $3  }
0xc4: {  	[dreg:$0x1] =	wrdreg $0xFFFFFFFF  }
0xc5: {  	_ =	task.clear_ibuf [dreg:s9], $0x2FFFF;
	_ =	strace $0x9FFFFFFF  }
0xc6: {  	(tm) =	ssettm $0x7FFFFFFF  }
0xc7: {  	_ =	shalt  }
tec
execute0_lowered:
.L_overlay_start_1:
0x0: {  	(tag) =	ssettag $0x1  }
0x1: {  	s0 =	rddreg [dreg:$0x0]  }
0x2: {  	s1 =	rddreg [dreg:$0x1]  }
0x3: {  	s4 =	rddreg [dreg:$0x2]  }
0x4: {  	s2 =	rddreg [dreg:$0x3]  }
0x5: {  	s3 =	srdreg.scid;
	s6 =	stileid.u32  }
0x6: {  	s24 =	simm.s32 $0x80;
	s25 =	simm.s32 $0x18100;
	s26 =	simm.s32 $0x18180  }
0x7: {  	s28 =	simm.s32 $0x9900;
	s29 =	simm.s32 $0xA100;
	s30 =	simm.s32 $0xA900  }
0x8: {  	s31 =	simm.s32 $0xB100;
	s15 =	simm.s32 $0xB900;
	s16 =	simm.s32 $0x10100  }
0x9: {  	s12 =	simm.s32 $0x12900;
	s13 =	simm.s32 $0x13100;
	s14 =	simm.s32 $0x13900  }
0xa: {  	s5 =	sand.u32 $0x1, s3;
	s3 =	simm.s32 $0x0;
	s6 =	sshll.u32 s6, $0x8  }
0xb: {  	s7 =	sshll.u32 s5, $0x7;
	[smem:$0x7FF] =	sst s3;
	s21 =	ssub.s32 $0x2, s5  }
0xc: {  	s6 =	sor.u32 s7, s6;
	_ =	strace $0x80000047;
	[dreg:$0xc] =	wrdreg s24  }
0xd: {  	s5 =	sshrl.u32 s21, $0x1;
	[dreg:$0xd] =	wrdreg s25;
	s7 =	sshrl.u32 s6, $0x3  }
0xe: {  	[dreg:$0xe] =	wrdreg s26;
	s17 =	sshll.u32 s6, $0x6;
	s1 =	sadd.s32 s1, s7  }
0xf: {  	s8 =	sadd.s32 s7, s4;
	s4 =	sadd.s32 s0, s17;
	[dreg:$0x5] =	wrdreg s1  }
0x10: {  	s24 =	simm.s32 $0x8100;
	s18 =	sadd.s32 $0x1000, s8;
	[dreg:$0xf] =	wrdreg s4  }
0x11: {  	s25 =	simm.s32 $0x8900;
	s0 =	sadd.s32 $0x800, s4;
	[dreg:$0x6] =	wrdreg s18  }
0x12: {  	s26 =	simm.s32 $0x9100;
	s19 =	sadd.s32 $0x1000, s4;
	[dreg:$0x7] =	wrdreg s0  }
0x13: {  	s17 =	simm.s32 $0x7;
	s20 =	sadd.s32 $0x1800, s4;
	[dreg:$0x8] =	wrdreg s19  }
0x14: {  	s7 =	simm.s32 $0x5;
	s22 =	sadd.s32 $0x1200, s8;
	[dreg:$0x9] =	wrdreg s20  }
0x15: {  	s23 =	sadd.s32 $0x1400, s8;
	s1 =	ssub.s32 s21, s5;
	[dreg:$0xa] =	wrdreg s22  }
0x16: {  	v2 =	vlaneseq.u32;
	s5 =	sadd.s32 $0x100, s2;
	s21 =	simm.s32 $0xE900;
	[dreg:$0xb] =	wrdreg s23  }
0x17: {  	vm0 =	vmmov $0xffff;
	v1 =	vshrl.u32 v2, $0x3;
	s6 =	smax.u32 s1, $0x1;
	s18 =	simm.s32 $0xD100;
	s19 =	simm.s32 $0xD900  }
0x18: {  	v0 =	vand.u32 $0x7, v2;
	v2 =	vor.u32 $0x8, v2;
	v1 =	vmul.u32 $0x8, v1;
	s20 =	simm.s32 $0xE100;
	s22 =	simm.s32 $0xF100;
	s1 =	simm.s32 $0x3  }
.LBB2_1:
0x19: {  	s23 =	rddreg [dreg:$0x5]  }
0x1a: {  	[tilespmem:s3], [sflag:$0x7] =	stream.linear.gather [hbm4b:s23+s3], $0x80, $0x38;
	[tilespmem:$0x18200] =	vst v63  }
0x1b: {  	_ =	swait.ge [sflag:s17], $0x80  }
0x1c: {  	s11 =	rddreg [dreg:$0x6];
	[sflag:s17] =	ssyncset.done $0x0  }
0x1d: {  	s4 =	rddreg [dreg:$0xc];
	[sflag:s17] =	ssyncadd.s32 $0xFFFFFF80  }
0x1e: {  	[tilespmem:s4], [sflag:$0x7] =	stream.linear.gather [hbm4b:s11+s3], $0x80, $0x38;
	[tilespmem:$0x18200] =	vst v63  }
0x1f: {  	_ =	swait.ge [sflag:s17], $0x80  }
0x20: {  	[sflag:s17] =	ssyncset.done $0x0  }
0x21: {  	s23 =	simm.s32 $0x100;
	s0 =	rddreg [dreg:$0xf];
	[sflag:s17] =	ssyncadd.s32 $0xFFFFFF80  }
0x22: {  	[tilespmem:s23], [sflag:$0x1] =	stream.linear.gather [hbm4b:s0+s3], $0x4000, $0x38;
	[tilespmem:$0x18200] =	vst v63  }
0x23: {  	v3 =	vld [tilespmem:$0x0];
	_ =	sdelay $0x4  }
0x24: {  	v4 =	vshll.u32 v3, $0x2  }
0x25: {  	v3 =	vand.u32 $0x7, v3;
	v4 =	vand.u32 $0xFFFFFFE0, v4  }
0x26: {  	v3 =	vor.u32 v3, v4  }
0x27: {  	v4 =	vperm.xlane v3, v0;
	_ =	sdelay $0x1  }
0x28: {  	v4 =	vadd.s32 v1, v4;
	_ =	sdelay $0x1  }
0x29: {  	v3 =	vperm.xlane v3, v2;
	_ =	sdelay $0x1  }
0x2a: {  	v3 =	vadd.s32 v1, v3  }
0x2b: {  	[tilespmem:s24], [sflag:$0x3] =	stream.indirect_vreg.gather [hbm4b:s2+s3], $0x80, v4, vm0, $0xb8;
	[tilespmem:$0x18200] =	vst v63  }
0x2c: {  	_ = 	snop  }
0x2d: {  	[tilespmem:s25], [sflag:$0x3] =	stream.indirect_vreg.gather [hbm4b:s5+s3], $0x80, v4, vm0, $0xb8;
	[tilespmem:$0x18200] =	vst v63  }
0x2e: {  	_ = 	snop  }
0x2f: {  	[tilespmem:s26], [sflag:$0x3] =	stream.indirect_vreg.gather [hbm4b:s2+s3], $0x80, v3, vm0, $0xb8;
	[tilespmem:$0x18200] =	vst v63  }
0x30: {  	_ = 	snop  }
0x31: {  	[tilespmem:s28], [sflag:$0x3] =	stream.indirect_vreg.gather [hbm4b:s5+s3], $0x80, v3, vm0, $0xb8;
	[tilespmem:$0x18200] =	vst v63  }
0x32: {  	v3 =	vld [tilespmem:$0x10];
	_ =	sdelay $0x4  }
0x33: {  	v49 =	vshll.u32 v3, $0x2  }
0x34: {  	v3 =	vand.u32 $0x7, v3;
	v4 =	vand.u32 $0xFFFFFFE0, v49  }
0x35: {  	v3 =	vor.u32 v3, v4  }
0x36: {  	v4 =	vperm.xlane v3, v0;
	_ =	sdelay $0x1  }
0x37: {  	v4 =	vadd.s32 v1, v4;
	_ =	sdelay $0x1  }
0x38: {  	v3 =	vperm.xlane v3, v2;
	_ =	sdelay $0x1  }
0x39: {  	v3 =	vadd.s32 v1, v3  }
0x3a: {  	[tilespmem:s29], [sflag:$0x3] =	stream.indirect_vreg.gather [hbm4b:s2+s3], $0x80, v4, vm0, $0xb8;
	[tilespmem:$0x18200] =	vst v63  }
0x3b: {  	_ = 	snop  }
0x3c: {  	[tilespmem:s30], [sflag:$0x3] =	stream.indirect_vreg.gather [hbm4b:s5+s3], $0x80, v4, vm0, $0xb8;
	[tilespmem:$0x18200] =	vst v63  }
0x3d: {  	_ = 	snop  }
0x3e: {  	[tilespmem:s31], [sflag:$0x3] =	stream.indirect_vreg.gather [hbm4b:s2+s3], $0x80, v3, vm0, $0xb8;
	[tilespmem:$0x18200] =	vst v63  }
0x3f: {  	_ = 	snop  }
0x40: {  	[tilespmem:s15], [sflag:$0x3] =	stream.indirect_vreg.gather [hbm4b:s5+s3], $0x80, v3, vm0, $0xb8;
	[tilespmem:$0x18200] =	vst v63  }
0x41: {  	v3 =	vld [tilespmem:$0x80];
	_ =	sdelay $0x4  }
0x42: {  	v50 =	vshll.u32 v3, $0x2  }
0x43: {  	v3 =	vand.u32 $0x7, v3;
	v4 =	vand.u32 $0xFFFFFFE0, v50  }
0x44: {  	v3 =	vor.u32 v3, v4  }
0x45: {  	v4 =	vperm.xlane v3, v0;
	_ =	sdelay $0x1  }
0x46: {  	v4 =	vadd.s32 v1, v4;
	_ =	sdelay $0x1  }
0x47: {  	v3 =	vperm.xlane v3, v2;
	_ =	sdelay $0x1  }
0x48: {  	v3 =	vadd.s32 v1, v3  }
0x49: {  	[tilespmem:s16], [sflag:$0x5] =	stream.indirect_vreg.gather [hbm4b:s2+s3], $0x80, v4, vm0, $0xb8;
	[tilespmem:$0x18200] =	vst v63  }
0x4a: {  	s8 =	simm.s32 $0x10900  }
0x4b: {  	[tilespmem:s8], [sflag:$0x5] =	stream.indirect_vreg.gather [hbm4b:s5+s3], $0x80, v4, vm0, $0xb8;
	[tilespmem:$0x18200] =	vst v63  }
0x4c: {  	s9 =	simm.s32 $0x11100  }
0x4d: {  	[tilespmem:s9], [sflag:$0x5] =	stream.indirect_vreg.gather [hbm4b:s2+s3], $0x80, v3, vm0, $0xb8;
	[tilespmem:$0x18200] =	vst v63  }
0x4e: {  	s10 =	simm.s32 $0x11900  }
0x4f: {  	[tilespmem:s10], [sflag:$0x5] =	stream.indirect_vreg.gather [hbm4b:s5+s3], $0x80, v3, vm0, $0xb8;
	[tilespmem:$0x18200] =	vst v63  }
0x50: {  	v3 =	vld [tilespmem:$0x90];
	_ =	sdelay $0x4  }
0x51: {  	v51 =	vshll.u32 v3, $0x2  }
0x52: {  	v3 =	vand.u32 $0x7, v3;
	v4 =	vand.u32 $0xFFFFFFE0, v51  }
0x53: {  	v3 =	vor.u32 v3, v4  }
0x54: {  	v4 =	vperm.xlane v3, v0;
	_ =	sdelay $0x1  }
0x55: {  	v4 =	vadd.s32 v1, v4;
	_ =	sdelay $0x1  }
0x56: {  	v3 =	vperm.xlane v3, v2;
	_ =	sdelay $0x1  }
0x57: {  	s11 =	simm.s32 $0x12100;
	v3 =	vadd.s32 v1, v3  }
0x58: {  	[tilespmem:s11], [sflag:$0x5] =	stream.indirect_vreg.gather [hbm4b:s2+s3], $0x80, v4, vm0, $0xb8;
	[tilespmem:$0x18200] =	vst v63  }
0x59: {  	_ = 	snop  }
0x5a: {  	[tilespmem:s12], [sflag:$0x5] =	stream.indirect_vreg.gather [hbm4b:s5+s3], $0x80, v4, vm0, $0xb8;
	[tilespmem:$0x18200] =	vst v63  }
0x5b: {  	_ = 	snop  }
0x5c: {  	[tilespmem:s13], [sflag:$0x5] =	stream.indirect_vreg.gather [hbm4b:s2+s3], $0x80, v3, vm0, $0xb8;
	[tilespmem:$0x18200] =	vst v63  }
0x5d: {  	_ = 	snop  }
0x5e: {  	[tilespmem:s14], [sflag:$0x5] =	stream.indirect_vreg.gather [hbm4b:s5+s3], $0x80, v3, vm0, $0xb8;
	[tilespmem:$0x18200] =	vst v63  }
0x5f: {  	s4 =	rddreg [dreg:$0x7];
	s0 =	simm.s32 $0x4100  }
0x60: {  	[tilespmem:s0], [sflag:$0x2] =	stream.linear.gather [hbm4b:s4+s3], $0x4000, $0x38;
	[tilespmem:$0x18200] =	vst v63  }
0x61: {  	v3 =	vld [tilespmem:$0x20];
	_ =	sdelay $0x4  }
0x62: {  	v52 =	vshll.u32 v3, $0x2  }
0x63: {  	v3 =	vand.u32 $0x7, v3;
	v4 =	vand.u32 $0xFFFFFFE0, v52  }
0x64: {  	v3 =	vor.u32 v3, v4  }
0x65: {  	v4 =	vperm.xlane v3, v0;
	_ =	sdelay $0x1  }
0x66: {  	v4 =	vadd.s32 v1, v4;
	_ =	sdelay $0x1  }
0x67: {  	v3 =	vperm.xlane v3, v2;
	_ =	sdelay $0x1  }
0x68: {  	s4 =	simm.s32 $0xC100;
	v3 =	vadd.s32 v1, v3  }
0x69: {  	[tilespmem:s4], [sflag:$0x4] =	stream.indirect_vreg.gather [hbm4b:s2+s3], $0x80, v4, vm0, $0xb8;
	[tilespmem:$0x18200] =	vst v63  }
0x6a: {  	s4 =	simm.s32 $0xC900  }
0x6b: {  	[tilespmem:s4], [sflag:$0x4] =	stream.indirect_vreg.gather [hbm4b:s5+s3], $0x80, v4, vm0, $0xb8;
	[tilespmem:$0x18200] =	vst v63  }
0x6c: {  	_ = 	snop  }
0x6d: {  	[tilespmem:s18], [sflag:$0x4] =	stream.indirect_vreg.gather [hbm4b:s2+s3], $0x80, v3, vm0, $0xb8;
	[tilespmem:$0x18200] =	vst v63  }
0x6e: {  	_ = 	snop  }
0x6f: {  	[tilespmem:s19], [sflag:$0x4] =	stream.indirect_vreg.gather [hbm4b:s5+s3], $0x80, v3, vm0, $0xb8;
	[tilespmem:$0x18200] =	vst v63  }
0x70: {  	v3 =	vld [tilespmem:$0x30];
	_ =	sdelay $0x4  }
0x71: {  	v53 =	vshll.u32 v3, $0x2  }
0x72: {  	v3 =	vand.u32 $0x7, v3;
	v4 =	vand.u32 $0xFFFFFFE0, v53  }
0x73: {  	v3 =	vor.u32 v3, v4  }
0x74: {  	v4 =	vperm.xlane v3, v0;
	_ =	sdelay $0x1  }
0x75: {  	v4 =	vadd.s32 v1, v4;
	_ =	sdelay $0x1  }
0x76: {  	v3 =	vperm.xlane v3, v2;
	_ =	sdelay $0x1  }
0x77: {  	v3 =	vadd.s32 v1, v3  }
0x78: {  	[tilespmem:s20], [sflag:$0x4] =	stream.indirect_vreg.gather [hbm4b:s2+s3], $0x80, v4, vm0, $0xb8;
	[tilespmem:$0x18200] =	vst v63  }
0x79: {  	_ = 	snop  }
0x7a: {  	[tilespmem:s21], [sflag:$0x4] =	stream.indirect_vreg.gather [hbm4b:s5+s3], $0x80, v4, vm0, $0xb8;
	[tilespmem:$0x18200] =	vst v63  }
0x7b: {  	_ = 	snop  }
0x7c: {  	[tilespmem:s22], [sflag:$0x4] =	stream.indirect_vreg.gather [hbm4b:s2+s3], $0x80, v3, vm0, $0xb8;
	[tilespmem:$0x18200] =	vst v63  }
0x7d: {  	s4 =	simm.s32 $0xF900  }
0x7e: {  	[tilespmem:s4], [sflag:$0x4] =	stream.indirect_vreg.gather [hbm4b:s5+s3], $0x80, v3, vm0, $0xb8;
	[tilespmem:$0x18200] =	vst v63  }
0x7f: {  	v3 =	vld [tilespmem:$0xA0];
	_ =	sdelay $0x4  }
0x80: {  	v54 =	vshll.u32 v3, $0x2  }
0x81: {  	v3 =	vand.u32 $0x7, v3;
	v4 =	vand.u32 $0xFFFFFFE0, v54  }
0x82: {  	v3 =	vor.u32 v3, v4  }
0x83: {  	v4 =	vperm.xlane v3, v0;
	_ =	sdelay $0x1  }
0x84: {  	v4 =	vadd.s32 v1, v4;
	_ =	sdelay $0x1  }
0x85: {  	v3 =	vperm.xlane v3, v2;
	_ =	sdelay $0x1  }
0x86: {  	s4 =	simm.s32 $0x14100;
	v3 =	vadd.s32 v1, v3  }
0x87: {  	[tilespmem:s4], [sflag:$0x6] =	stream.indirect_vreg.gather [hbm4b:s2+s3], $0x80, v4, vm0, $0xb8;
	[tilespmem:$0x18200] =	vst v63  }
0x88: {  	s4 =	simm.s32 $0x14900  }
0x89: {  	[tilespmem:s4], [sflag:$0x6] =	stream.indirect_vreg.gather [hbm4b:s5+s3], $0x80, v4, vm0, $0xb8;
	[tilespmem:$0x18200] =	vst v63  }
0x8a: {  	s4 =	simm.s32 $0x15100  }
0x8b: {  	[tilespmem:s4], [sflag:$0x6] =	stream.indirect_vreg.gather [hbm4b:s2+s3], $0x80, v3, vm0, $0xb8;
	[tilespmem:$0x18200] =	vst v63  }
0x8c: {  	s4 =	simm.s32 $0x15900  }
0x8d: {  	[tilespmem:s4], [sflag:$0x6] =	stream.indirect_vreg.gather [hbm4b:s5+s3], $0x80, v3, vm0, $0xb8;
	[tilespmem:$0x18200] =	vst v63  }
0x8e: {  	v3 =	vld [tilespmem:$0xB0];
	_ =	sdelay $0x4  }
0x8f: {  	v55 =	vshll.u32 v3, $0x2  }
0x90: {  	v3 =	vand.u32 $0x7, v3;
	v4 =	vand.u32 $0xFFFFFFE0, v55  }
0x91: {  	v3 =	vor.u32 v3, v4  }
0x92: {  	v4 =	vperm.xlane v3, v0;
	_ =	sdelay $0x1  }
0x93: {  	v4 =	vadd.s32 v1, v4;
	_ =	sdelay $0x1  }
0x94: {  	v3 =	vperm.xlane v3, v2;
	_ =	sdelay $0x1  }
0x95: {  	s4 =	simm.s32 $0x16100;
	v3 =	vadd.s32 v1, v3  }
0x96: {  	[tilespmem:s4], [sflag:$0x6] =	stream.indirect_vreg.gather [hbm4b:s2+s3], $0x80, v4, vm0, $0xb8;
	[tilespmem:$0x18200] =	vst v63  }
0x97: {  	s4 =	simm.s32 $0x16900  }
0x98: {  	[tilespmem:s4], [sflag:$0x6] =	stream.indirect_vreg.gather [hbm4b:s5+s3], $0x80, v4, vm0, $0xb8;
	[tilespmem:$0x18200] =	vst v63  }
0x99: {  	s4 =	simm.s32 $0x17100  }
0x9a: {  	[tilespmem:s4], [sflag:$0x6] =	stream.indirect_vreg.gather [hbm4b:s2+s3], $0x80, v3, vm0, $0xb8;
	[tilespmem:$0x18200] =	vst v63  }
0x9b: {  	s0 =	simm.s32 $0x1;
	s4 =	simm.s32 $0x17900  }
0x9c: {  	[tilespmem:s4], [sflag:$0x6] =	stream.indirect_vreg.gather [hbm4b:s5+s3], $0x80, v3, vm0, $0xb8;
	[tilespmem:$0x18200] =	vst v63  }
0x9d: {  	_ =	swait.ge [sflag:s0], $0x4000  }
0x9e: {  	[sflag:s0] =	ssyncset.done $0x0  }
0x9f: {  	[sflag:s0] =	ssyncadd.s32 $0xFFFFC000  }
0xa0: {  	_ =	swait.ge [sflag:s1], $0x4000  }
0xa1: {  	[sflag:s1] =	ssyncset.done $0x0  }
0xa2: {  	[sflag:s1] =	ssyncadd.s32 $0xFFFFC000  }
0xa3: {  	_ =	swait.ge [sflag:s7], $0x4000  }
0xa4: {  	[sflag:s7] =	ssyncset.done $0x0  }
0xa5: {  	s4 =	rddreg [dreg:$0x8];
	[sflag:s7] =	ssyncadd.s32 $0xFFFFC000  }
0xa6: {  	[tilespmem:s23], [sflag:$0x1] =	stream.linear.gather [hbm4b:s4+s3], $0x4000, $0x38;
	[tilespmem:$0x18200] =	vst v63  }
0xa7: {  	v3 =	vld [tilespmem:$0x40];
	_ =	sdelay $0x4  }
0xa8: {  	v56 =	vshll.u32 v3, $0x2  }
0xa9: {  	v3 =	vand.u32 $0x7, v3;
	v4 =	vand.u32 $0xFFFFFFE0, v56  }
0xaa: {  	v3 =	vor.u32 v3, v4  }
0xab: {  	v4 =	vperm.xlane v3, v0;
	_ =	sdelay $0x1  }
0xac: {  	v4 =	vadd.s32 v1, v4;
	_ =	sdelay $0x1  }
0xad: {  	v3 =	vperm.xlane v3, v2;
	_ =	sdelay $0x1  }
0xae: {  	v3 =	vadd.s32 v1, v3  }
0xaf: {  	[tilespmem:s24], [sflag:$0x3] =	stream.indirect_vreg.gather [hbm4b:s2+s3], $0x80, v4, vm0, $0xb8;
	[tilespmem:$0x18200] =	vst v63  }
0xb0: {  	_ = 	snop  }
0xb1: {  	[tilespmem:s25], [sflag:$0x3] =	stream.indirect_vreg.gather [hbm4b:s5+s3], $0x80, v4, vm0, $0xb8;
	[tilespmem:$0x18200] =	vst v63  }
0xb2: {  	_ = 	snop  }
0xb3: {  	[tilespmem:s26], [sflag:$0x3] =	stream.indirect_vreg.gather [hbm4b:s2+s3], $0x80, v3, vm0, $0xb8;
	[tilespmem:$0x18200] =	vst v63  }
0xb4: {  	_ = 	snop  }
0xb5: {  	[tilespmem:s28], [sflag:$0x3] =	stream.indirect_vreg.gather [hbm4b:s5+s3], $0x80, v3, vm0, $0xb8;
	[tilespmem:$0x18200] =	vst v63  }
0xb6: {  	v3 =	vld [tilespmem:$0x50];
	_ =	sdelay $0x4  }
0xb7: {  	v57 =	vshll.u32 v3, $0x2  }
0xb8: {  	v3 =	vand.u32 $0x7, v3;
	v4 =	vand.u32 $0xFFFFFFE0, v57  }
0xb9: {  	v3 =	vor.u32 v3, v4  }
0xba: {  	v4 =	vperm.xlane v3, v0;
	_ =	sdelay $0x1  }
0xbb: {  	v4 =	vadd.s32 v1, v4;
	_ =	sdelay $0x1  }
0xbc: {  	v3 =	vperm.xlane v3, v2;
	_ =	sdelay $0x1  }
0xbd: {  	v3 =	vadd.s32 v1, v3  }
0xbe: {  	[tilespmem:s29], [sflag:$0x3] =	stream.indirect_vreg.gather [hbm4b:s2+s3], $0x80, v4, vm0, $0xb8;
	[tilespmem:$0x18200] =	vst v63  }
0xbf: {  	_ = 	snop  }
0xc0: {  	[tilespmem:s30], [sflag:$0x3] =	stream.indirect_vreg.gather [hbm4b:s5+s3], $0x80, v4, vm0, $0xb8;
	[tilespmem:$0x18200] =	vst v63  }
0xc1: {  	_ = 	snop  }
0xc2: {  	[tilespmem:s31], [sflag:$0x3] =	stream.indirect_vreg.gather [hbm4b:s2+s3], $0x80, v3, vm0, $0xb8;
	[tilespmem:$0x18200] =	vst v63  }
0xc3: {  	_ = 	snop  }
0xc4: {  	[tilespmem:s15], [sflag:$0x3] =	stream.indirect_vreg.gather [hbm4b:s5+s3], $0x80, v3, vm0, $0xb8;
	[tilespmem:$0x18200] =	vst v63  }
0xc5: {  	v3 =	vld [tilespmem:$0xC0];
	_ =	sdelay $0x4  }
0xc6: {  	v58 =	vshll.u32 v3, $0x2  }
0xc7: {  	v3 =	vand.u32 $0x7, v3;
	v4 =	vand.u32 $0xFFFFFFE0, v58  }
0xc8: {  	v3 =	vor.u32 v3, v4  }
0xc9: {  	v4 =	vperm.xlane v3, v0;
	_ =	sdelay $0x1  }
0xca: {  	v4 =	vadd.s32 v1, v4;
	_ =	sdelay $0x1  }
0xcb: {  	v3 =	vperm.xlane v3, v2;
	_ =	sdelay $0x1  }
0xcc: {  	v3 =	vadd.s32 v1, v3  }
0xcd: {  	[tilespmem:s16], [sflag:$0x5] =	stream.indirect_vreg.gather [hbm4b:s2+s3], $0x80, v4, vm0, $0xb8;
	[tilespmem:$0x18200] =	vst v63  }
0xce: {  	_ = 	snop  }
0xcf: {  	[tilespmem:s8], [sflag:$0x5] =	stream.indirect_vreg.gather [hbm4b:s5+s3], $0x80, v4, vm0, $0xb8;
	[tilespmem:$0x18200] =	vst v63  }
0xd0: {  	_ = 	snop  }
0xd1: {  	[tilespmem:s9], [sflag:$0x5] =	stream.indirect_vreg.gather [hbm4b:s2+s3], $0x80, v3, vm0, $0xb8;
	[tilespmem:$0x18200] =	vst v63  }
0xd2: {  	_ = 	snop  }
0xd3: {  	[tilespmem:s10], [sflag:$0x5] =	stream.indirect_vreg.gather [hbm4b:s5+s3], $0x80, v3, vm0, $0xb8;
	[tilespmem:$0x18200] =	vst v63  }
0xd4: {  	v3 =	vld [tilespmem:$0xD0];
	_ =	sdelay $0x4  }
0xd5: {  	v59 =	vshll.u32 v3, $0x2  }
0xd6: {  	v3 =	vand.u32 $0x7, v3;
	v4 =	vand.u32 $0xFFFFFFE0, v59  }
0xd7: {  	v3 =	vor.u32 v3, v4  }
0xd8: {  	v4 =	vperm.xlane v3, v0;
	_ =	sdelay $0x1  }
0xd9: {  	v4 =	vadd.s32 v1, v4;
	_ =	sdelay $0x1  }
0xda: {  	v3 =	vperm.xlane v3, v2;
	_ =	sdelay $0x1  }
0xdb: {  	v3 =	vadd.s32 v1, v3  }
0xdc: {  	[tilespmem:s11], [sflag:$0x5] =	stream.indirect_vreg.gather [hbm4b:s2+s3], $0x80, v4, vm0, $0xb8;
	[tilespmem:$0x18200] =	vst v63  }
0xdd: {  	_ = 	snop  }
0xde: {  	[tilespmem:s12], [sflag:$0x5] =	stream.indirect_vreg.gather [hbm4b:s5+s3], $0x80, v4, vm0, $0xb8;
	[tilespmem:$0x18200] =	vst v63  }
0xdf: {  	_ = 	snop  }
0xe0: {  	[tilespmem:s13], [sflag:$0x5] =	stream.indirect_vreg.gather [hbm4b:s2+s3], $0x80, v3, vm0, $0xb8;
	[tilespmem:$0x18200] =	vst v63  }
0xe1: {  	s8 =	simm.s32 $0x2  }
0xe2: {  	[tilespmem:s14], [sflag:$0x5] =	stream.indirect_vreg.gather [hbm4b:s5+s3], $0x80, v3, vm0, $0xb8;
	[tilespmem:$0x18200] =	vst v63  }
0xe3: {  	_ =	swait.ge [sflag:s8], $0x4000  }
0xe4: {  	[sflag:s8] =	ssyncset.done $0x0  }
0xe5: {  	s9 =	simm.s32 $0x4;
	[sflag:s8] =	ssyncadd.s32 $0xFFFFC000  }
0xe6: {  	_ =	swait.ge [sflag:s9], $0x4000  }
0xe7: {  	[sflag:s9] =	ssyncset.done $0x0  }
0xe8: {  	s10 =	simm.s32 $0x6;
	[sflag:s9] =	ssyncadd.s32 $0xFFFFC000  }
0xe9: {  	_ =	swait.ge [sflag:s10], $0x4000  }
0xea: {  	[sflag:s10] =	ssyncset.done $0x0  }
0xeb: {  	s23 =	simm.s32 $0x4100;
	s11 =	rddreg [dreg:$0x9];
	[sflag:s10] =	ssyncadd.s32 $0xFFFFC000  }
0xec: {  	[tilespmem:s23], [sflag:$0x2] =	stream.linear.gather [hbm4b:s11+s3], $0x4000, $0x38;
	[tilespmem:$0x18200] =	vst v63  }
0xed: {  	v3 =	vld [tilespmem:$0x60];
	_ =	sdelay $0x4  }
0xee: {  	v60 =	vshll.u32 v3, $0x2  }
0xef: {  	v3 =	vand.u32 $0x7, v3;
	v4 =	vand.u32 $0xFFFFFFE0, v60  }
0xf0: {  	v3 =	vor.u32 v3, v4  }
0xf1: {  	v4 =	vperm.xlane v3, v0;
	_ =	sdelay $0x1  }
0xf2: {  	v4 =	vadd.s32 v1, v4;
	_ =	sdelay $0x1  }
0xf3: {  	v3 =	vperm.xlane v3, v2;
	_ =	sdelay $0x1  }
0xf4: {  	s23 =	simm.s32 $0xC100;
	v3 =	vadd.s32 v1, v3  }
0xf5: {  	[tilespmem:s23], [sflag:$0x4] =	stream.indirect_vreg.gather [hbm4b:s2+s3], $0x80, v4, vm0, $0xb8;
	[tilespmem:$0x18200] =	vst v63  }
0xf6: {  	s11 =	simm.s32 $0xC900  }
0xf7: {  	[tilespmem:s11], [sflag:$0x4] =	stream.indirect_vreg.gather [hbm4b:s5+s3], $0x80, v4, vm0, $0xb8;
	[tilespmem:$0x18200] =	vst v63  }
0xf8: {  	_ = 	snop  }
0xf9: {  	[tilespmem:s18], [sflag:$0x4] =	stream.indirect_vreg.gather [hbm4b:s2+s3], $0x80, v3, vm0, $0xb8;
	[tilespmem:$0x18200] =	vst v63  }
0xfa: {  	_ = 	snop  }
0xfb: {  	[tilespmem:s19], [sflag:$0x4] =	stream.indirect_vreg.gather [hbm4b:s5+s3], $0x80, v3, vm0, $0xb8;
	[tilespmem:$0x18200] =	vst v63  }
0xfc: {  	v3 =	vld [tilespmem:$0x70];
	_ =	sdelay $0x4  }
0xfd: {  	v61 =	vshll.u32 v3, $0x2  }
0xfe: {  	v3 =	vand.u32 $0x7, v3;
	v4 =	vand.u32 $0xFFFFFFE0, v61  }
0xff: {  	v3 =	vor.u32 v3, v4  }
0x100: {  	v4 =	vperm.xlane v3, v0;
	_ =	sdelay $0x1  }
0x101: {  	v4 =	vadd.s32 v1, v4;
	_ =	sdelay $0x1  }
0x102: {  	v3 =	vperm.xlane v3, v2;
	_ =	sdelay $0x1  }
0x103: {  	v3 =	vadd.s32 v1, v3  }
0x104: {  	[tilespmem:s20], [sflag:$0x4] =	stream.indirect_vreg.gather [hbm4b:s2+s3], $0x80, v4, vm0, $0xb8;
	[tilespmem:$0x18200] =	vst v63  }
0x105: {  	_ = 	snop  }
0x106: {  	[tilespmem:s21], [sflag:$0x4] =	stream.indirect_vreg.gather [hbm4b:s5+s3], $0x80, v4, vm0, $0xb8;
	[tilespmem:$0x18200] =	vst v63  }
0x107: {  	_ = 	snop  }
0x108: {  	[tilespmem:s22], [sflag:$0x4] =	stream.indirect_vreg.gather [hbm4b:s2+s3], $0x80, v3, vm0, $0xb8;
	[tilespmem:$0x18200] =	vst v63  }
0x109: {  	s23 =	simm.s32 $0xF900  }
0x10a: {  	[tilespmem:s23], [sflag:$0x4] =	stream.indirect_vreg.gather [hbm4b:s5+s3], $0x80, v3, vm0, $0xb8;
	[tilespmem:$0x18200] =	vst v63  }
0x10b: {  	v3 =	vld [tilespmem:$0xE0];
	_ =	sdelay $0x4  }
0x10c: {  	v62 =	vshll.u32 v3, $0x2  }
0x10d: {  	v3 =	vand.u32 $0x7, v3;
	v4 =	vand.u32 $0xFFFFFFE0, v62  }
0x10e: {  	v3 =	vor.u32 v3, v4  }
0x10f: {  	v4 =	vperm.xlane v3, v0;
	_ =	sdelay $0x1  }
0x110: {  	v4 =	vadd.s32 v1, v4;
	_ =	sdelay $0x1  }
0x111: {  	v3 =	vperm.xlane v3, v2;
	_ =	sdelay $0x1  }
0x112: {  	s11 =	simm.s32 $0x14100;
	v3 =	vadd.s32 v1, v3  }
0x113: {  	[tilespmem:s11], [sflag:$0x6] =	stream.indirect_vreg.gather [hbm4b:s2+s3], $0x80, v4, vm0, $0xb8;
	[tilespmem:$0x18200] =	vst v63  }
0x114: {  	s23 =	simm.s32 $0x14900  }
0x115: {  	[tilespmem:s23], [sflag:$0x6] =	stream.indirect_vreg.gather [hbm4b:s5+s3], $0x80, v4, vm0, $0xb8;
	[tilespmem:$0x18200] =	vst v63  }
0x116: {  	s11 =	simm.s32 $0x15100  }
0x117: {  	[tilespmem:s11], [sflag:$0x6] =	stream.indirect_vreg.gather [hbm4b:s2+s3], $0x80, v3, vm0, $0xb8;
	[tilespmem:$0x18200] =	vst v63  }
0x118: {  	s23 =	simm.s32 $0x15900  }
0x119: {  	[tilespmem:s23], [sflag:$0x6] =	stream.indirect_vreg.gather [hbm4b:s5+s3], $0x80, v3, vm0, $0xb8;
	[tilespmem:$0x18200] =	vst v63  }
0x11a: {  	v3 =	vld [tilespmem:$0xF0];
	_ =	sdelay $0x4  }
0x11b: {  	v63 =	vshll.u32 v3, $0x2  }
0x11c: {  	v3 =	vand.u32 $0x7, v3;
	v4 =	vand.u32 $0xFFFFFFE0, v63  }
0x11d: {  	v3 =	vor.u32 v3, v4  }
0x11e: {  	v4 =	vperm.xlane v3, v0;
	_ =	sdelay $0x1  }
0x11f: {  	v4 =	vadd.s32 v1, v4;
	_ =	sdelay $0x1  }
0x120: {  	v3 =	vperm.xlane v3, v2;
	_ =	sdelay $0x1  }
0x121: {  	s11 =	simm.s32 $0x16100;
	v3 =	vadd.s32 v1, v3  }
0x122: {  	[tilespmem:s11], [sflag:$0x6] =	stream.indirect_vreg.gather [hbm4b:s2+s3], $0x80, v4, vm0, $0xb8;
	[tilespmem:$0x18200] =	vst v63  }
0x123: {  	s23 =	simm.s32 $0x16900  }
0x124: {  	[tilespmem:s23], [sflag:$0x6] =	stream.indirect_vreg.gather [hbm4b:s5+s3], $0x80, v4, vm0, $0xb8;
	[tilespmem:$0x18200] =	vst v63  }
0x125: {  	s11 =	simm.s32 $0x17100  }
0x126: {  	[tilespmem:s11], [sflag:$0x6] =	stream.indirect_vreg.gather [hbm4b:s2+s3], $0x80, v3, vm0, $0xb8;
	[tilespmem:$0x18200] =	vst v63  }
0x127: {  	s23 =	simm.s32 $0x17900  }
0x128: {  	[tilespmem:s23], [sflag:$0x6] =	stream.indirect_vreg.gather [hbm4b:s5+s3], $0x80, v3, vm0, $0xb8;
	[tilespmem:$0x18200] =	vst v63  }
0x129: {  	_ =	swait.ge [sflag:s0], $0x4000  }
0x12a: {  	[sflag:s0] =	ssyncset.done $0x0  }
0x12b: {  	[sflag:s0] =	ssyncadd.s32 $0xFFFFC000  }
0x12c: {  	_ =	swait.ge [sflag:s1], $0x4000  }
0x12d: {  	[sflag:s1] =	ssyncset.done $0x0  }
0x12e: {  	[sflag:s1] =	ssyncadd.s32 $0xFFFFC000  }
0x12f: {  	_ =	swait.ge [sflag:s7], $0x4000  }
0x130: {  	[sflag:s7] =	ssyncset.done $0x0  }
0x131: {  	[sflag:s7] =	ssyncadd.s32 $0xFFFFC000  }
0x132: {  	_ =	swait.ge [sflag:s8], $0x4000  }
0x133: {  	[sflag:s8] =	ssyncset.done $0x0  }
0x134: {  	[sflag:s8] =	ssyncadd.s32 $0xFFFFC000  }
0x135: {  	_ =	swait.ge [sflag:s9], $0x4000  }
0x136: {  	[sflag:s9] =	ssyncset.done $0x0  }
0x137: {  	[sflag:s9] =	ssyncadd.s32 $0xFFFFC000  }
0x138: {  	_ =	swait.ge [sflag:s10], $0x4000  }
0x139: {  	s8 =	rddreg [dreg:$0xa];
	[sflag:s10] =	ssyncset.done $0x0  }
0x13a: {  	s9 =	rddreg [dreg:$0xd];
	[sflag:s10] =	ssyncadd.s32 $0xFFFFC000  }
0x13b: {  	[hbm4b:s8+s3] =	stream.linear.scatter [tilespmem:s9], [sflag:$0x7], $0x80, $0x38;
	[tilespmem:$0x18200] =	vst v63  }
0x13c: {  	_ =	swait.ge [sflag:s17], $0x80  }
0x13d: {  	p0 =	sne.s32 s6, $0x1;
	s10 =	rddreg [dreg:$0xb];
	[sflag:s17] =	ssyncset.done $0x0  }
.Ltmp0:
0x13e: {  	s11 =	rddreg [dreg:$0xe];
	[sflag:s17] =	ssyncadd.s32 $0xFFFFFF80;
	(pc) =	sbr.rel @p0 .LBB2_1-.Ltmp0, $4  }
0x13f: {  	[hbm4b:s10+s3] =	stream.linear.scatter [tilespmem:s11], [sflag:$0x7], $0x80, $0x38;
	[tilespmem:$0x18200] =	vst v63  }
0x140: {  	_ =	swait.ge [sflag:s17], $0x80  }
0x141: {  	[sflag:s17] =	ssyncset.done $0x0  }
0x142: {  	s6 =	sadd.s32 $0xFFFFFFFF, s6;
	[sflag:s17] =	ssyncadd.s32 $0xFFFFFF80  }
0x143: {  	_ =	sfence.sel $0x180000  }
0x144: {  	[bflag:$0x0] =	sbarrier.arrive $0xFFFF  }
0x145: {  	_ =	strace $0x90000047  }
0x146: {  	s0 =	stileid.u32;
	[bflag:$0x2] =	sbarrier.arrive $0xFFFF  }
0x147: {  	p0 =	sne.s32 s0, $0x0;
	s0 =	rddreg [dreg:$0x4]  }
0x148: {  	s0 =	sadd.s32 @!p0 $0x100000, s0  }
0x149: {  	[sflag:s0] =	ssyncadd.tile.s32 @!p0 $0x1;
	_ =	shalt  }
.Lfunc_end2:
_tile_overlayer_lowered:
.L_overlay_start_2:
0x14a: {  	(tag) =	ssettag $0x2  }
0x14b: {  	s0 =	rddreg [dreg:$0x0];
	s2 =	stileid.u32  }
0x14c: {  	s1 =	rddreg [dreg:$0x1];
	p0 =	sne.s32 s2, $0x0  }
0x14d: {  	s3 =	rddreg [dreg:$0x2];
	[bflag:$0x3] =	sbarrier.arrive $0xFFFF;
	s2 =	simm.s32 @!p0 $0x1C07  }
0x14e: {  	[timem:s3], [sflag:s2] =	dma.local @!p0 [hbm:s0], s1  }
0x14f: {  	s0 =	simm.s32 @!p0 $0x7  }
0x150: {  	_ =	swait.ge @!p0 [sflag:s0], s1  }
0x151: {  	s1 =	ssub.s32 @!p0 $0x0, s1;
	[sflag:s0] =	ssyncset.done @!p0 $0x0  }
0x152: {  	[sflag:s0] =	ssyncadd.s32 @!p0 s1  }
0x153: {  	[bflag:$0x3] =	sbarrier.arrive $0xFFFF  }
0x154: {  	_ =	shalt  }

</sc_bundles>
